<compile_context>
chip_gen: v7x
topology: tpu7x:2x2x1
jax: 0.10.2.dev20260603
libtpu: 0.0.44.dev20260713+nightly
codegen_flags: <defaults>
</compile_context>

<pallas_src>
import numpy as np
import jax
import jax.numpy as jnp
from jax.experimental import pallas as pl
from jax.experimental.pallas import tpu as pltpu
from jax.experimental.pallas import tpu_sc as plsc

BS, LENGTH, D_Y, D_X, D_MODEL = 8, 512, 8, 7, 512
T2V_IN = D_X + 1
T2V_K = D_MODEL // T2V_IN
N_TOK = D_Y * LENGTH
REP = 128

_E7 = np.repeat(np.eye(T2V_IN, dtype=np.float32), T2V_K, axis=1)[:D_X]
_E8 = np.repeat(np.eye(T2V_IN, dtype=np.float32), T2V_K, axis=1)[D_X:]
_LIN_MASK = ((np.arange(D_MODEL, dtype=np.int32) % T2V_K) == 0).astype(
    np.int32)[None, :]

_INV_PI = float(1.0 / np.pi)
_PI = float(np.pi)


def _fast_sin(a):
    q = jnp.round(a * _INV_PI)
    r = a - q * _PI
    r2 = r * r
    p = r * (1.0 + r2 * (-0.166666667 + r2 * (0.0083333310
                                              + r2 * (-0.000198408))))
    sign = jax.lax.shift_left(q.astype(jnp.int32) & 1, 31)
    return jax.lax.bitcast_convert_type(
        jax.lax.bitcast_convert_type(p, jnp.int32) ^ sign, jnp.float32)


def _row(ref):
    return jnp.concatenate([ref[i:i + 1, :] for i in range(T2V_IN)], axis=1)


def _tc_body(x_ref, y_ref, e7_ref, e8_ref, m_ref, w_ref, b_ref, yb_ref,
             g_ref, bW_ref, out_ref):
    xtb = x_ref[:, pl.program_id(0), :]
    lp = (jax.lax.broadcasted_iota(jnp.int32, (LENGTH, 1), 0)
          .astype(jnp.float32) * (1.0 / LENGTH))
    xce = jax.lax.dot_general(
        xtb, e7_ref[...], (((0,), (0,)), ((), ())),
        precision=jax.lax.Precision.HIGHEST) + lp * e8_ref[...]
    a = xce * _row(w_ref) + _row(b_ref)
    s = jnp.where(m_ref[...] != 0, a, _fast_sin(a))
    w1 = bW_ref[1:1 + D_MODEL, :]
    c = jnp.reshape(yb_ref[...], (1, D_MODEL)) + g_ref[1:2, :]
    t = jax.lax.dot(s, w1) + c
    w0 = bW_ref[0:1, :]
    yb = jnp.transpose(y_ref[0])
    for v in range(D_Y):
        yv = yb[:, v:v + 1]
        out_ref[0, v * LENGTH:(v + 1) * LENGTH, :] = t + yv * w0


def _sc_body(tab_ref, vemb_ref, vidx_ref, rep_ref, idx_ref, sem):
    core = jax.lax.axis_index("c")
    sub = jax.lax.axis_index("s")
    sid = core * 16 + sub
    v = jax.lax.rem(sid, D_Y)
    b0 = jax.lax.div(sid, D_Y)
    pltpu.async_copy(tab_ref.at[v], rep_ref.at[0], sem).wait()
    vvec = jnp.broadcast_to(v, (16,)).astype(jnp.int32)

    @pl.loop(0, D_MODEL, step=16)
    def _(i):
        val = rep_ref[0, pl.ds(i, 16)]
        for r in range(1, REP):
            rep_ref[r, pl.ds(i, 16)] = val

    @pl.loop(0, LENGTH, step=16)
    def _(i):
        idx_ref[pl.ds(i, 16)] = vvec

    copies = []
    for j in range(2):
        b = b0 + j * 4
        for k in range(LENGTH // REP):
            copies.append(pltpu.async_copy(
                rep_ref,
                vemb_ref.at[b, pl.ds(v * LENGTH + k * REP, REP), :], sem))
        copies.append(pltpu.async_copy(
            idx_ref, vidx_ref.at[b, pl.ds(v * LENGTH, LENGTH)], sem))
    for cp in copies:
        cp.wait()


def _sc_var_outputs(var_emb_table):
    mesh = plsc.VectorSubcoreMesh(core_axis_name="c", subcore_axis_name="s")
    fn = pl.kernel(
        _sc_body,
        out_type=[
            jax.ShapeDtypeStruct((BS, N_TOK, D_MODEL), jnp.float32),
            jax.ShapeDtypeStruct((BS, N_TOK), jnp.int32),
        ],
        mesh=mesh,
        scratch_types=[
            pltpu.VMEM((REP, D_MODEL), jnp.float32),
            pltpu.VMEM((LENGTH,), jnp.int32),
            pltpu.SemaphoreType.DMA,
        ],
    )
    return fn(var_emb_table)


def kernel(y, x, t2v_weight, t2v_bias, y_emb_W, y_emb_b, var_emb_table,
           given_emb_table):
    var_emb, var_idx = _sc_var_outputs(var_emb_table)
    val_time = pl.pallas_call(
        _tc_body,
        grid=(BS,),
        in_specs=[
            pl.BlockSpec((D_X, BS, LENGTH), lambda b: (0, 0, 0)),
            pl.BlockSpec((1, D_Y, LENGTH), lambda b: (b, 0, 0)),
            pl.BlockSpec((D_X, D_MODEL), lambda b: (0, 0)),
            pl.BlockSpec((1, D_MODEL), lambda b: (0, 0)),
            pl.BlockSpec((1, D_MODEL), lambda b: (0, 0)),
            pl.BlockSpec((T2V_IN, T2V_K), lambda b: (0, 0)),
            pl.BlockSpec((T2V_IN, T2V_K), lambda b: (0, 0)),
            pl.BlockSpec((D_MODEL,), lambda b: (0,)),
            pl.BlockSpec((2, D_MODEL), lambda b: (0, 0)),
            pl.BlockSpec((1 + D_MODEL, D_MODEL), lambda b: (0, 0)),
        ],
        out_specs=pl.BlockSpec((1, N_TOK, D_MODEL), lambda b: (b, 0, 0)),
        out_shape=jax.ShapeDtypeStruct((BS, N_TOK, D_MODEL), jnp.float32),
    )(jnp.transpose(x, (2, 0, 1)), jnp.transpose(y, (0, 2, 1)),
      _E7, _E8, _LIN_MASK, t2v_weight, t2v_bias, y_emb_b, given_emb_table,
      y_emb_W)
    return val_time, var_emb, var_idx

# --- scband reference (transcript-rebuilt; emitter-appended) ---
"""Pipeline reference for scband-spacetimeformer-embedding-51101520888098 (READ-ONLY COPY).

The authoritative reference and input builder live on the scoring server;
editing this copy changes nothing except your own understanding.
"""

import jax, jax.numpy as jnp
import numpy as np

BS, LENGTH, D_Y, D_X, D_MODEL = 8, 512, 8, 7, 512
T2V_IN = D_X + 1          # x gets local_pos appended
T2V_K = D_MODEL // T2V_IN  # per-feature time2vec width


def setup_inputs(seed: int = 0) -> dict:
    key = jax.random.key(seed)
    ks = jax.random.split(key, 8)
    y = jax.random.normal(ks[0], (BS, LENGTH, D_Y), dtype=jnp.float32)
    x = jax.random.uniform(ks[1], (BS, LENGTH, D_X), dtype=jnp.float32)
    t2v_weight = jax.random.normal(ks[2], (T2V_IN, T2V_K), dtype=jnp.float32)
    t2v_bias = jax.random.normal(ks[3], (T2V_IN, T2V_K), dtype=jnp.float32)
    y_emb_W = jax.random.normal(ks[4], (1 + D_MODEL, D_MODEL), dtype=jnp.float32) * (1.0 / np.sqrt(1 + D_MODEL))
    y_emb_b = jnp.zeros((D_MODEL,), dtype=jnp.float32)
    var_emb_table = jax.random.normal(ks[5], (D_Y, D_MODEL), dtype=jnp.float32)
    given_emb_table = jax.random.normal(ks[6], (2, D_MODEL), dtype=jnp.float32)
    return {
        'y': y, 'x': x,
        't2v_weight': t2v_weight, 't2v_bias': t2v_bias,
        'y_emb_W': y_emb_W, 'y_emb_b': y_emb_b,
        'var_emb_table': var_emb_table, 'given_emb_table': given_emb_table,
    }


def _time2vec(xc, w, b):
    # torch: diag_embed(x) @ W + B ; row i of diag(x) @ W == x_i * W[i, :]
    x_aff = xc[..., :, None] * w[None, None, :, :] + b[None, None, :, :]
    out = jnp.concatenate([x_aff[..., :1], jnp.sin(x_aff[..., 1:])], axis=-1)
    return out.reshape(xc.shape[0], xc.shape[1], -1)


def reference(y, x, t2v_weight, t2v_bias, y_emb_W, y_emb_b, var_emb_table, given_emb_table):
    bs, length, d_y = y.shape
    # torch.cat(y.chunk(d_y, dim=-1), dim=1) -> variable-major flattening [bs, d_y*length, 1]
    y2 = jnp.transpose(y, (0, 2, 1)).reshape(bs, d_y * length, 1)
    local_pos = (jnp.arange(length, dtype=jnp.float32) / length).reshape(1, length, 1)
    local_pos = jnp.broadcast_to(local_pos, (bs, length, 1))
    xc = jnp.concatenate([x, local_pos], axis=-1)          # [bs, length, d_x+1]
    t2v_emb = _time2vec(xc, t2v_weight, t2v_bias)          # [bs, length, d_model]
    t2v_rep = jnp.tile(t2v_emb, (1, d_y, 1))               # [bs, d_y*length, d_model]
    val_time_inp = jnp.concatenate([y2, t2v_rep], axis=-1) # [bs, d_y*length, 1+d_model]
    val_time_emb = val_time_inp @ y_emb_W + y_emb_b        # y_emb linear
    # GIVEN embedding: encoder path -> all ones indices
    given = jnp.ones((bs, d_y * length), dtype=jnp.int32)
    val_time_emb = val_time_emb + jnp.take(given_emb_table, given, axis=0)
    # variable (space) embedding lookup
    var_idx = jnp.repeat(jnp.arange(d_y, dtype=jnp.int32), length)[None, :]
    var_idx = jnp.broadcast_to(var_idx, (bs, d_y * length))
    var_emb = jnp.take(var_emb_table, var_idx, axis=0)
    return (val_time_emb, var_emb, var_idx)

if __name__ == "__main__":
    import jax
    _d = setup_inputs()
    print(jax.jit(kernel)(*tuple(_d.values())))

</pallas_src>

<mosaic_0001>
#map = affine_map<(d0, d1) -> (0, 0)>
#map1 = affine_map<(d0, d1) -> (0, 0, 0)>
module attributes {stable_mosaic.version = 14 : i64} {
  func.func @_sc_body(%arg0: i32, %arg1: i32, %arg2: memref<8x512xf32, #tpu.memory_space<hbm>>, %arg3: memref<8x4096x512xf32, #tpu.memory_space<hbm>>, %arg4: memref<8x4096xi32, #tpu.memory_space<hbm>>, %arg5: memref<128x512xf32, #tpu.memory_space<vmem>>, %arg6: memref<512xi32, #tpu.memory_space<vmem>>, %arg7: memref<!tpu.dma_semaphore, #tpu.memory_space<semaphore_mem>>) attributes {dimension_semantics = [#tpu.dimension_semantics<core_parallel>, #tpu.dimension_semantics<subcore_parallel>], iteration_bounds = array<i64: 2, 16>, scalar_prefetch = 0 : i64, scratch_operands = 3 : i64, tpu.core_type = #tpu.core_type<sc_vector_subcore>, window_params = [{transform_indices = #map}, {transform_indices = #map1}, {transform_indices = #map}]} {
    %mul3A = arith.constant 16 : i32
    %mul3A_0 = arith.muli %arg0, %mul3A : i32
    %add3A = arith.addi %mul3A_0, %arg1 : i32
    %rem3A = arith.constant 8 : i32
    %rem3A_1 = arith.remsi %add3A, %rem3A : i32
    %div3A = arith.constant 8 : i32
    %div3A_2 = arith.divsi %add3A, %div3A : i32
    %dma_start3A = arith.constant 0 : i32
    %dma_start3A_3 = arith.constant 0 : i32
    %dma_start3A_4 = tpu.memref_slice %arg5[%dma_start3A, %dma_start3A_3] : memref<128x512xf32, #tpu.memory_space<vmem>> -> memref<1x512xf32, #tpu.memory_space<vmem>>
    %dma_start3A_5 = tpu.memref_squeeze %dma_start3A_4 : memref<1x512xf32, #tpu.memory_space<vmem>> -> memref<512xf32, #tpu.memory_space<vmem>>
    %dma_start3A_6 = arith.constant 0 : i32
    %dma_start3A_7 = tpu.memref_slice %arg2[%rem3A_1, %dma_start3A_6] : memref<8x512xf32, #tpu.memory_space<hbm>> -> memref<1x512xf32, #tpu.memory_space<hbm>>
    %dma_start3A_8 = tpu.memref_squeeze %dma_start3A_7 : memref<1x512xf32, #tpu.memory_space<hbm>> -> memref<512xf32, #tpu.memory_space<hbm>>
    %dma_start3A_9 = arith.constant 0 : i32
    %dma_start3A_10 = tpu.memref_slice %arg5[%dma_start3A, %dma_start3A_9] : memref<128x512xf32, #tpu.memory_space<vmem>> -> memref<1x512xf32, #tpu.memory_space<vmem>>
    %dma_start3A_11 = tpu.memref_squeeze %dma_start3A_10 : memref<1x512xf32, #tpu.memory_space<vmem>> -> memref<512xf32, #tpu.memory_space<vmem>>
    %dma_start3A_12 = arith.constant 0 : i32
    %dma_start3A_13 = tpu.memref_slice %arg2[%rem3A_1, %dma_start3A_12] : memref<8x512xf32, #tpu.memory_space<hbm>> -> memref<1x512xf32, #tpu.memory_space<hbm>>
    %dma_start3A_14 = tpu.memref_squeeze %dma_start3A_13 : memref<1x512xf32, #tpu.memory_space<hbm>> -> memref<512xf32, #tpu.memory_space<hbm>>
    tpu.enqueue_dma source(%dma_start3A_14 : memref<512xf32, #tpu.memory_space<hbm>>) target(%dma_start3A_11 : memref<512xf32, #tpu.memory_space<vmem>>) target_semaphore(%arg7 : memref<!tpu.dma_semaphore, #tpu.memory_space<semaphore_mem>>)
    %dma_wait3A = arith.constant 0 : i32
    %dma_wait3A_15 = arith.constant 0 : i32
    %dma_wait3A_16 = tpu.memref_slice %arg5[%dma_wait3A, %dma_wait3A_15] : memref<128x512xf32, #tpu.memory_space<vmem>> -> memref<1x512xf32, #tpu.memory_space<vmem>>
    %dma_wait3A_17 = tpu.memref_squeeze %dma_wait3A_16 : memref<1x512xf32, #tpu.memory_space<vmem>> -> memref<512xf32, #tpu.memory_space<vmem>>
    %dma_wait3A_18 = arith.constant 0 : i32
    %dma_wait3A_19 = tpu.memref_slice %arg2[%rem3A_1, %dma_wait3A_18] : memref<8x512xf32, #tpu.memory_space<hbm>> -> memref<1x512xf32, #tpu.memory_space<hbm>>
    %dma_wait3A_20 = tpu.memref_squeeze %dma_wait3A_19 : memref<1x512xf32, #tpu.memory_space<hbm>> -> memref<512xf32, #tpu.memory_space<hbm>>
    %dma_wait3A_21 = arith.constant 0 : i32
    %dma_wait3A_22 = tpu.memref_slice %arg5[%dma_wait3A, %dma_wait3A_21] : memref<128x512xf32, #tpu.memory_space<vmem>> -> memref<1x512xf32, #tpu.memory_space<vmem>>
    %dma_wait3A_23 = tpu.memref_squeeze %dma_wait3A_22 : memref<1x512xf32, #tpu.memory_space<vmem>> -> memref<512xf32, #tpu.memory_space<vmem>>
    %dma_wait3A_24 = arith.constant 0 : i32
    %dma_wait3A_25 = tpu.memref_slice %arg2[%rem3A_1, %dma_wait3A_24] : memref<8x512xf32, #tpu.memory_space<hbm>> -> memref<1x512xf32, #tpu.memory_space<hbm>>
    %dma_wait3A_26 = tpu.memref_squeeze %dma_wait3A_25 : memref<1x512xf32, #tpu.memory_space<hbm>> -> memref<512xf32, #tpu.memory_space<hbm>>
    tpu.wait_dma2 semaphore(%arg7 : memref<!tpu.dma_semaphore, #tpu.memory_space<semaphore_mem>>) src(%dma_wait3A_26 : memref<512xf32, #tpu.memory_space<hbm>>) dst(%dma_wait3A_23 : memref<512xf32, #tpu.memory_space<vmem>>)
    %broadcast_in_dim3A = vector.broadcast %rem3A_1 : i32 to vector<16xi32>
    %scan3A = arith.constant 0 : i32
    %scan3A_27 = arith.constant 32 : i32
    %scan3A_28 = arith.addi %scan3A, %scan3A_27 : i32
    %scan3A_29 = arith.constant 1 : i32
    scf.for %scan3A_188 = %scan3A to %scan3A_28 step %scan3A_29  : i32 {
      %mul3A_189 = arith.constant 16 : i32
      %mul3A_190 = arith.muli %scan3A_188, %mul3A_189 : i32
      %add3A_191 = arith.constant 0 : i32
      %add3A_192 = arith.addi %add3A_191, %mul3A_190 : i32
      %get3A = arith.constant 0 : i32
      %get3A_193 = arith.index_cast %get3A : i32 to index
      %get3A_194 = arith.index_cast %add3A_192 : i32 to index
      %get3A_195 = tpu.vector_load %arg5[%get3A_193, %get3A_194] {strides = array<i32>} : memref<128x512xf32, #tpu.memory_space<vmem>>, vector<1x16xf32>,
      %get3A_196 = vector.shape_cast %get3A_195 : vector<1x16xf32> to vector<16xf32>
      %swap3A = arith.constant 1 : i32
      %swap3A_197 = arith.index_cast %swap3A : i32 to index
      %swap3A_198 = arith.index_cast %add3A_192 : i32 to index
      %swap3A_199 = tpu.vector_load %arg5[%swap3A_197, %swap3A_198] {strides = array<i32>} : memref<128x512xf32, #tpu.memory_space<vmem>>, vector<1x16xf32>,
      %swap3A_200 = vector.shape_cast %swap3A_199 : vector<1x16xf32> to vector<16xf32>
      %swap3A_201 = vector.shape_cast %get3A_196 : vector<16xf32> to vector<1x16xf32>
      tpu.vector_store %arg5[%swap3A_197, %swap3A_198], %swap3A_201 {strides = array<i32>} : memref<128x512xf32, #tpu.memory_space<vmem>>, vector<1x16xf32>,
      %swap3A_202 = arith.constant 2 : i32
      %swap3A_203 = arith.index_cast %swap3A_202 : i32 to index
      %swap3A_204 = arith.index_cast %add3A_192 : i32 to index
      %swap3A_205 = tpu.vector_load %arg5[%swap3A_203, %swap3A_204] {strides = array<i32>} : memref<128x512xf32, #tpu.memory_space<vmem>>, vector<1x16xf32>,
      %swap3A_206 = vector.shape_cast %swap3A_205 : vector<1x16xf32> to vector<16xf32>
      %swap3A_207 = vector.shape_cast %get3A_196 : vector<16xf32> to vector<1x16xf32>
      tpu.vector_store %arg5[%swap3A_203, %swap3A_204], %swap3A_207 {strides = array<i32>} : memref<128x512xf32, #tpu.memory_space<vmem>>, vector<1x16xf32>,
      %swap3A_208 = arith.constant 3 : i32
      %swap3A_209 = arith.index_cast %swap3A_208 : i32 to index
      %swap3A_210 = arith.index_cast %add3A_192 : i32 to index
      %swap3A_211 = tpu.vector_load %arg5[%swap3A_209, %swap3A_210] {strides = array<i32>} : memref<128x512xf32, #tpu.memory_space<vmem>>, vector<1x16xf32>,
      %swap3A_212 = vector.shape_cast %swap3A_211 : vector<1x16xf32> to vector<16xf32>
      %swap3A_213 = vector.shape_cast %get3A_196 : vector<16xf32> to vector<1x16xf32>
      tpu.vector_store %arg5[%swap3A_209, %swap3A_210], %swap3A_213 {strides = array<i32>} : memref<128x512xf32, #tpu.memory_space<vmem>>, vector<1x16xf32>,
      %swap3A_214 = arith.constant 4 : i32
      %swap3A_215 = arith.index_cast %swap3A_214 : i32 to index
      %swap3A_216 = arith.index_cast %add3A_192 : i32 to index
      %swap3A_217 = tpu.vector_load %arg5[%swap3A_215, %swap3A_216] {strides = array<i32>} : memref<128x512xf32, #tpu.memory_space<vmem>>, vector<1x16xf32>,
      %swap3A_218 = vector.shape_cast %swap3A_217 : vector<1x16xf32> to vector<16xf32>
      %swap3A_219 = vector.shape_cast %get3A_196 : vector<16xf32> to vector<1x16xf32>
      tpu.vector_store %arg5[%swap3A_215, %swap3A_216], %swap3A_219 {strides = array<i32>} : memref<128x512xf32, #tpu.memory_space<vmem>>, vector<1x16xf32>,
      %swap3A_220 = arith.constant 5 : i32
      %swap3A_221 = arith.index_cast %swap3A_220 : i32 to index
      %swap3A_222 = arith.index_cast %add3A_192 : i32 to index
      %swap3A_223 = tpu.vector_load %arg5[%swap3A_221, %swap3A_222] {strides = array<i32>} : memref<128x512xf32, #tpu.memory_space<vmem>>, vector<1x16xf32>,
      %swap3A_224 = vector.shape_cast %swap3A_223 : vector<1x16xf32> to vector<16xf32>
      %swap3A_225 = vector.shape_cast %get3A_196 : vector<16xf32> to vector<1x16xf32>
      tpu.vector_store %arg5[%swap3A_221, %swap3A_222], %swap3A_225 {strides = array<i32>} : memref<128x512xf32, #tpu.memory_space<vmem>>, vector<1x16xf32>,
      %swap3A_226 = arith.constant 6 : i32
      %swap3A_227 = arith.index_cast %swap3A_226 : i32 to index
      %swap3A_228 = arith.index_cast %add3A_192 : i32 to index
      %swap3A_229 = tpu.vector_load %arg5[%swap3A_227, %swap3A_228] {strides = array<i32>} : memref<128x512xf32, #tpu.memory_space<vmem>>, vector<1x16xf32>,
      %swap3A_230 = vector.shape_cast %swap3A_229 : vector<1x16xf32> to vector<16xf32>
      %swap3A_231 = vector.shape_cast %get3A_196 : vector<16xf32> to vector<1x16xf32>
      tpu.vector_store %arg5[%swap3A_227, %swap3A_228], %swap3A_231 {strides = array<i32>} : memref<128x512xf32, #tpu.memory_space<vmem>>, vector<1x16xf32>,
      %swap3A_232 = arith.constant 7 : i32
      %swap3A_233 = arith.index_cast %swap3A_232 : i32 to index
      %swap3A_234 = arith.index_cast %add3A_192 : i32 to index
      %swap3A_235 = tpu.vector_load %arg5[%swap3A_233, %swap3A_234] {strides = array<i32>} : memref<128x512xf32, #tpu.memory_space<vmem>>, vector<1x16xf32>,
      %swap3A_236 = vector.shape_cast %swap3A_235 : vector<1x16xf32> to vector<16xf32>
      %swap3A_237 = vector.shape_cast %get3A_196 : vector<16xf32> to vector<1x16xf32>
      tpu.vector_store %arg5[%swap3A_233, %swap3A_234], %swap3A_237 {strides = array<i32>} : memref<128x512xf32, #tpu.memory_space<vmem>>, vector<1x16xf32>,
      %swap3A_238 = arith.constant 8 : i32
      %swap3A_239 = arith.index_cast %swap3A_238 : i32 to index
      %swap3A_240 = arith.index_cast %add3A_192 : i32 to index
      %swap3A_241 = tpu.vector_load %arg5[%swap3A_239, %swap3A_240] {strides = array<i32>} : memref<128x512xf32, #tpu.memory_space<vmem>>, vector<1x16xf32>,
      %swap3A_242 = vector.shape_cast %swap3A_241 : vector<1x16xf32> to vector<16xf32>
      %swap3A_243 = vector.shape_cast %get3A_196 : vector<16xf32> to vector<1x16xf32>
      tpu.vector_store %arg5[%swap3A_239, %swap3A_240], %swap3A_243 {strides = array<i32>} : memref<128x512xf32, #tpu.memory_space<vmem>>, vector<1x16xf32>,
      %swap3A_244 = arith.constant 9 : i32
      %swap3A_245 = arith.index_cast %swap3A_244 : i32 to index
      %swap3A_246 = arith.index_cast %add3A_192 : i32 to index
      %swap3A_247 = tpu.vector_load %arg5[%swap3A_245, %swap3A_246] {strides = array<i32>} : memref<128x512xf32, #tpu.memory_space<vmem>>, vector<1x16xf32>,
      %swap3A_248 = vector.shape_cast %swap3A_247 : vector<1x16xf32> to vector<16xf32>
      %swap3A_249 = vector.shape_cast %get3A_196 : vector<16xf32> to vector<1x16xf32>
      tpu.vector_store %arg5[%swap3A_245, %swap3A_246], %swap3A_249 {strides = array<i32>} : memref<128x512xf32, #tpu.memory_space<vmem>>, vector<1x16xf32>,
      %swap3A_250 = arith.constant 10 : i32
      %swap3A_251 = arith.index_cast %swap3A_250 : i32 to index
      %swap3A_252 = arith.index_cast %add3A_192 : i32 to index
      %swap3A_253 = tpu.vector_load %arg5[%swap3A_251, %swap3A_252] {strides = array<i32>} : memref<128x512xf32, #tpu.memory_space<vmem>>, vector<1x16xf32>,
      %swap3A_254 = vector.shape_cast %swap3A_253 : vector<1x16xf32> to vector<16xf32>
      %swap3A_255 = vector.shape_cast %get3A_196 : vector<16xf32> to vector<1x16xf32>
      tpu.vector_store %arg5[%swap3A_251, %swap3A_252], %swap3A_255 {strides = array<i32>} : memref<128x512xf32, #tpu.memory_space<vmem>>, vector<1x16xf32>,
      %swap3A_256 = arith.constant 11 : i32
      %swap3A_257 = arith.index_cast %swap3A_256 : i32 to index
      %swap3A_258 = arith.index_cast %add3A_192 : i32 to index
      %swap3A_259 = tpu.vector_load %arg5[%swap3A_257, %swap3A_258] {strides = array<i32>} : memref<128x512xf32, #tpu.memory_space<vmem>>, vector<1x16xf32>,
      %swap3A_260 = vector.shape_cast %swap3A_259 : vector<1x16xf32> to vector<16xf32>
      %swap3A_261 = vector.shape_cast %get3A_196 : vector<16xf32> to vector<1x16xf32>
      tpu.vector_store %arg5[%swap3A_257, %swap3A_258], %swap3A_261 {strides = array<i32>} : memref<128x512xf32, #tpu.memory_space<vmem>>, vector<1x16xf32>,
      %swap3A_262 = arith.constant 12 : i32
      %swap3A_263 = arith.index_cast %swap3A_262 : i32 to index
      %swap3A_264 = arith.index_cast %add3A_192 : i32 to index
      %swap3A_265 = tpu.vector_load %arg5[%swap3A_263, %swap3A_264] {strides = array<i32>} : memref<128x512xf32, #tpu.memory_space<vmem>>, vector<1x16xf32>,
      %swap3A_266 = vector.shape_cast %swap3A_265 : vector<1x16xf32> to vector<16xf32>
      %swap3A_267 = vector.shape_cast %get3A_196 : vector<16xf32> to vector<1x16xf32>
      tpu.vector_store %arg5[%swap3A_263, %swap3A_264], %swap3A_267 {strides = array<i32>} : memref<128x512xf32, #tpu.memory_space<vmem>>, vector<1x16xf32>,
      %swap3A_268 = arith.constant 13 : i32
      %swap3A_269 = arith.index_cast %swap3A_268 : i32 to index
      %swap3A_270 = arith.index_cast %add3A_192 : i32 to index
      %swap3A_271 = tpu.vector_load %arg5[%swap3A_269, %swap3A_270] {strides = array<i32>} : memref<128x512xf32, #tpu.memory_space<vmem>>, vector<1x16xf32>,
      %swap3A_272 = vector.shape_cast %swap3A_271 : vector<1x16xf32> to vector<16xf32>
      %swap3A_273 = vector.shape_cast %get3A_196 : vector<16xf32> to vector<1x16xf32>
      tpu.vector_store %arg5[%swap3A_269, %swap3A_270], %swap3A_273 {strides = array<i32>} : memref<128x512xf32, #tpu.memory_space<vmem>>, vector<1x16xf32>,
      %swap3A_274 = arith.constant 14 : i32
      %swap3A_275 = arith.index_cast %swap3A_274 : i32 to index
      %swap3A_276 = arith.index_cast %add3A_192 : i32 to index
      %swap3A_277 = tpu.vector_load %arg5[%swap3A_275, %swap3A_276] {strides = array<i32>} : memref<128x512xf32, #tpu.memory_space<vmem>>, vector<1x16xf32>,
      %swap3A_278 = vector.shape_cast %swap3A_277 : vector<1x16xf32> to vector<16xf32>
      %swap3A_279 = vector.shape_cast %get3A_196 : vector<16xf32> to vector<1x16xf32>
      tpu.vector_store %arg5[%swap3A_275, %swap3A_276], %swap3A_279 {strides = array<i32>} : memref<128x512xf32, #tpu.memory_space<vmem>>, vector<1x16xf32>,
      %swap3A_280 = arith.constant 15 : i32
      %swap3A_281 = arith.index_cast %swap3A_280 : i32 to index
      %swap3A_282 = arith.index_cast %add3A_192 : i32 to index
      %swap3A_283 = tpu.vector_load %arg5[%swap3A_281, %swap3A_282] {strides = array<i32>} : memref<128x512xf32, #tpu.memory_space<vmem>>, vector<1x16xf32>,
      %swap3A_284 = vector.shape_cast %swap3A_283 : vector<1x16xf32> to vector<16xf32>
      %swap3A_285 = vector.shape_cast %get3A_196 : vector<16xf32> to vector<1x16xf32>
      tpu.vector_store %arg5[%swap3A_281, %swap3A_282], %swap3A_285 {strides = array<i32>} : memref<128x512xf32, #tpu.memory_space<vmem>>, vector<1x16xf32>,
      %swap3A_286 = arith.constant 16 : i32
      %swap3A_287 = arith.index_cast %swap3A_286 : i32 to index
      %swap3A_288 = arith.index_cast %add3A_192 : i32 to index
      %swap3A_289 = tpu.vector_load %arg5[%swap3A_287, %swap3A_288] {strides = array<i32>} : memref<128x512xf32, #tpu.memory_space<vmem>>, vector<1x16xf32>,
      %swap3A_290 = vector.shape_cast %swap3A_289 : vector<1x16xf32> to vector<16xf32>
      %swap3A_291 = vector.shape_cast %get3A_196 : vector<16xf32> to vector<1x16xf32>
      tpu.vector_store %arg5[%swap3A_287, %swap3A_288], %swap3A_291 {strides = array<i32>} : memref<128x512xf32, #tpu.memory_space<vmem>>, vector<1x16xf32>,
      %swap3A_292 = arith.constant 17 : i32
      %swap3A_293 = arith.index_cast %swap3A_292 : i32 to index
      %swap3A_294 = arith.index_cast %add3A_192 : i32 to index
      %swap3A_295 = tpu.vector_load %arg5[%swap3A_293, %swap3A_294] {strides = array<i32>} : memref<128x512xf32, #tpu.memory_space<vmem>>, vector<1x16xf32>,
      %swap3A_296 = vector.shape_cast %swap3A_295 : vector<1x16xf32> to vector<16xf32>
      %swap3A_297 = vector.shape_cast %get3A_196 : vector<16xf32> to vector<1x16xf32>
      tpu.vector_store %arg5[%swap3A_293, %swap3A_294], %swap3A_297 {strides = array<i32>} : memref<128x512xf32, #tpu.memory_space<vmem>>, vector<1x16xf32>,
      %swap3A_298 = arith.constant 18 : i32
      %swap3A_299 = arith.index_cast %swap3A_298 : i32 to index
      %swap3A_300 = arith.index_cast %add3A_192 : i32 to index
      %swap3A_301 = tpu.vector_load %arg5[%swap3A_299, %swap3A_300] {strides = array<i32>} : memref<128x512xf32, #tpu.memory_space<vmem>>, vector<1x16xf32>,
      %swap3A_302 = vector.shape_cast %swap3A_301 : vector<1x16xf32> to vector<16xf32>
      %swap3A_303 = vector.shape_cast %get3A_196 : vector<16xf32> to vector<1x16xf32>
      tpu.vector_store %arg5[%swap3A_299, %swap3A_300], %swap3A_303 {strides = array<i32>} : memref<128x512xf32, #tpu.memory_space<vmem>>, vector<1x16xf32>,
      %swap3A_304 = arith.constant 19 : i32
      %swap3A_305 = arith.index_cast %swap3A_304 : i32 to index
      %swap3A_306 = arith.index_cast %add3A_192 : i32 to index
      %swap3A_307 = tpu.vector_load %arg5[%swap3A_305, %swap3A_306] {strides = array<i32>} : memref<128x512xf32, #tpu.memory_space<vmem>>, vector<1x16xf32>,
      %swap3A_308 = vector.shape_cast %swap3A_307 : vector<1x16xf32> to vector<16xf32>
      %swap3A_309 = vector.shape_cast %get3A_196 : vector<16xf32> to vector<1x16xf32>
      tpu.vector_store %arg5[%swap3A_305, %swap3A_306], %swap3A_309 {strides = array<i32>} : memref<128x512xf32, #tpu.memory_space<vmem>>, vector<1x16xf32>,
      %swap3A_310 = arith.constant 20 : i32
      %swap3A_311 = arith.index_cast %swap3A_310 : i32 to index
      %swap3A_312 = arith.index_cast %add3A_192 : i32 to index
      %swap3A_313 = tpu.vector_load %arg5[%swap3A_311, %swap3A_312] {strides = array<i32>} : memref<128x512xf32, #tpu.memory_space<vmem>>, vector<1x16xf32>,
      %swap3A_314 = vector.shape_cast %swap3A_313 : vector<1x16xf32> to vector<16xf32>
      %swap3A_315 = vector.shape_cast %get3A_196 : vector<16xf32> to vector<1x16xf32>
      tpu.vector_store %arg5[%swap3A_311, %swap3A_312], %swap3A_315 {strides = array<i32>} : memref<128x512xf32, #tpu.memory_space<vmem>>, vector<1x16xf32>,
      %swap3A_316 = arith.constant 21 : i32
      %swap3A_317 = arith.index_cast %swap3A_316 : i32 to index
      %swap3A_318 = arith.index_cast %add3A_192 : i32 to index
      %swap3A_319 = tpu.vector_load %arg5[%swap3A_317, %swap3A_318] {strides = array<i32>} : memref<128x512xf32, #tpu.memory_space<vmem>>, vector<1x16xf32>,
      %swap3A_320 = vector.shape_cast %swap3A_319 : vector<1x16xf32> to vector<16xf32>
      %swap3A_321 = vector.shape_cast %get3A_196 : vector<16xf32> to vector<1x16xf32>
      tpu.vector_store %arg5[%swap3A_317, %swap3A_318], %swap3A_321 {strides = array<i32>} : memref<128x512xf32, #tpu.memory_space<vmem>>, vector<1x16xf32>,
      %swap3A_322 = arith.constant 22 : i32
      %swap3A_323 = arith.index_cast %swap3A_322 : i32 to index
      %swap3A_324 = arith.index_cast %add3A_192 : i32 to index
      %swap3A_325 = tpu.vector_load %arg5[%swap3A_323, %swap3A_324] {strides = array<i32>} : memref<128x512xf32, #tpu.memory_space<vmem>>, vector<1x16xf32>,
      %swap3A_326 = vector.shape_cast %swap3A_325 : vector<1x16xf32> to vector<16xf32>
      %swap3A_327 = vector.shape_cast %get3A_196 : vector<16xf32> to vector<1x16xf32>
      tpu.vector_store %arg5[%swap3A_323, %swap3A_324], %swap3A_327 {strides = array<i32>} : memref<128x512xf32, #tpu.memory_space<vmem>>, vector<1x16xf32>,
      %swap3A_328 = arith.constant 23 : i32
      %swap3A_329 = arith.index_cast %swap3A_328 : i32 to index
      %swap3A_330 = arith.index_cast %add3A_192 : i32 to index
      %swap3A_331 = tpu.vector_load %arg5[%swap3A_329, %swap3A_330] {strides = array<i32>} : memref<128x512xf32, #tpu.memory_space<vmem>>, vector<1x16xf32>,
      %swap3A_332 = vector.shape_cast %swap3A_331 : vector<1x16xf32> to vector<16xf32>
      %swap3A_333 = vector.shape_cast %get3A_196 : vector<16xf32> to vector<1x16xf32>
      tpu.vector_store %arg5[%swap3A_329, %swap3A_330], %swap3A_333 {strides = array<i32>} : memref<128x512xf32, #tpu.memory_space<vmem>>, vector<1x16xf32>,
      %swap3A_334 = arith.constant 24 : i32
      %swap3A_335 = arith.index_cast %swap3A_334 : i32 to index
      %swap3A_336 = arith.index_cast %add3A_192 : i32 to index
      %swap3A_337 = tpu.vector_load %arg5[%swap3A_335, %swap3A_336] {strides = array<i32>} : memref<128x512xf32, #tpu.memory_space<vmem>>, vector<1x16xf32>,
      %swap3A_338 = vector.shape_cast %swap3A_337 : vector<1x16xf32> to vector<16xf32>
      %swap3A_339 = vector.shape_cast %get3A_196 : vector<16xf32> to vector<1x16xf32>
      tpu.vector_store %arg5[%swap3A_335, %swap3A_336], %swap3A_339 {strides = array<i32>} : memref<128x512xf32, #tpu.memory_space<vmem>>, vector<1x16xf32>,
      %swap3A_340 = arith.constant 25 : i32
      %swap3A_341 = arith.index_cast %swap3A_340 : i32 to index
      %swap3A_342 = arith.index_cast %add3A_192 : i32 to index
      %swap3A_343 = tpu.vector_load %arg5[%swap3A_341, %swap3A_342] {strides = array<i32>} : memref<128x512xf32, #tpu.memory_space<vmem>>, vector<1x16xf32>,
      %swap3A_344 = vector.shape_cast %swap3A_343 : vector<1x16xf32> to vector<16xf32>
      %swap3A_345 = vector.shape_cast %get3A_196 : vector<16xf32> to vector<1x16xf32>
      tpu.vector_store %arg5[%swap3A_341, %swap3A_342], %swap3A_345 {strides = array<i32>} : memref<128x512xf32, #tpu.memory_space<vmem>>, vector<1x16xf32>,
      %swap3A_346 = arith.constant 26 : i32
      %swap3A_347 = arith.index_cast %swap3A_346 : i32 to index
      %swap3A_348 = arith.index_cast %add3A_192 : i32 to index
      %swap3A_349 = tpu.vector_load %arg5[%swap3A_347, %swap3A_348] {strides = array<i32>} : memref<128x512xf32, #tpu.memory_space<vmem>>, vector<1x16xf32>,
      %swap3A_350 = vector.shape_cast %swap3A_349 : vector<1x16xf32> to vector<16xf32>
      %swap3A_351 = vector.shape_cast %get3A_196 : vector<16xf32> to vector<1x16xf32>
      tpu.vector_store %arg5[%swap3A_347, %swap3A_348], %swap3A_351 {strides = array<i32>} : memref<128x512xf32, #tpu.memory_space<vmem>>, vector<1x16xf32>,
      %swap3A_352 = arith.constant 27 : i32
      %swap3A_353 = arith.index_cast %swap3A_352 : i32 to index
      %swap3A_354 = arith.index_cast %add3A_192 : i32 to index
      %swap3A_355 = tpu.vector_load %arg5[%swap3A_353, %swap3A_354] {strides = array<i32>} : memref<128x512xf32, #tpu.memory_space<vmem>>, vector<1x16xf32>,
      %swap3A_356 = vector.shape_cast %swap3A_355 : vector<1x16xf32> to vector<16xf32>
      %swap3A_357 = vector.shape_cast %get3A_196 : vector<16xf32> to vector<1x16xf32>
      tpu.vector_store %arg5[%swap3A_353, %swap3A_354], %swap3A_357 {strides = array<i32>} : memref<128x512xf32, #tpu.memory_space<vmem>>, vector<1x16xf32>,
      %swap3A_358 = arith.constant 28 : i32
      %swap3A_359 = arith.index_cast %swap3A_358 : i32 to index
      %swap3A_360 = arith.index_cast %add3A_192 : i32 to index
      %swap3A_361 = tpu.vector_load %arg5[%swap3A_359, %swap3A_360] {strides = array<i32>} : memref<128x512xf32, #tpu.memory_space<vmem>>, vector<1x16xf32>,
      %swap3A_362 = vector.shape_cast %swap3A_361 : vector<1x16xf32> to vector<16xf32>
      %swap3A_363 = vector.shape_cast %get3A_196 : vector<16xf32> to vector<1x16xf32>
      tpu.vector_store %arg5[%swap3A_359, %swap3A_360], %swap3A_363 {strides = array<i32>} : memref<128x512xf32, #tpu.memory_space<vmem>>, vector<1x16xf32>,
      %swap3A_364 = arith.constant 29 : i32
      %swap3A_365 = arith.index_cast %swap3A_364 : i32 to index
      %swap3A_366 = arith.index_cast %add3A_192 : i32 to index
      %swap3A_367 = tpu.vector_load %arg5[%swap3A_365, %swap3A_366] {strides = array<i32>} : memref<128x512xf32, #tpu.memory_space<vmem>>, vector<1x16xf32>,
      %swap3A_368 = vector.shape_cast %swap3A_367 : vector<1x16xf32> to vector<16xf32>
      %swap3A_369 = vector.shape_cast %get3A_196 : vector<16xf32> to vector<1x16xf32>
      tpu.vector_store %arg5[%swap3A_365, %swap3A_366], %swap3A_369 {strides = array<i32>} : memref<128x512xf32, #tpu.memory_space<vmem>>, vector<1x16xf32>,
      %swap3A_370 = arith.constant 30 : i32
      %swap3A_371 = arith.index_cast %swap3A_370 : i32 to index
      %swap3A_372 = arith.index_cast %add3A_192 : i32 to index
      %swap3A_373 = tpu.vector_load %arg5[%swap3A_371, %swap3A_372] {strides = array<i32>} : memref<128x512xf32, #tpu.memory_space<vmem>>, vector<1x16xf32>,
      %swap3A_374 = vector.shape_cast %swap3A_373 : vector<1x16xf32> to vector<16xf32>
      %swap3A_375 = vector.shape_cast %get3A_196 : vector<16xf32> to vector<1x16xf32>
      tpu.vector_store %arg5[%swap3A_371, %swap3A_372], %swap3A_375 {strides = array<i32>} : memref<128x512xf32, #tpu.memory_space<vmem>>, vector<1x16xf32>,
      %swap3A_376 = arith.constant 31 : i32
      %swap3A_377 = arith.index_cast %swap3A_376 : i32 to index
      %swap3A_378 = arith.index_cast %add3A_192 : i32 to index
      %swap3A_379 = tpu.vector_load %arg5[%swap3A_377, %swap3A_378] {strides = array<i32>} : memref<128x512xf32, #tpu.memory_space<vmem>>, vector<1x16xf32>,
      %swap3A_380 = vector.shape_cast %swap3A_379 : vector<1x16xf32> to vector<16xf32>
      %swap3A_381 = vector.shape_cast %get3A_196 : vector<16xf32> to vector<1x16xf32>
      tpu.vector_store %arg5[%swap3A_377, %swap3A_378], %swap3A_381 {strides = array<i32>} : memref<128x512xf32, #tpu.memory_space<vmem>>, vector<1x16xf32>,
      %swap3A_382 = arith.constant 32 : i32
      %swap3A_383 = arith.index_cast %swap3A_382 : i32 to index
      %swap3A_384 = arith.index_cast %add3A_192 : i32 to index
      %swap3A_385 = tpu.vector_load %arg5[%swap3A_383, %swap3A_384] {strides = array<i32>} : memref<128x512xf32, #tpu.memory_space<vmem>>, vector<1x16xf32>,
      %swap3A_386 = vector.shape_cast %swap3A_385 : vector<1x16xf32> to vector<16xf32>
      %swap3A_387 = vector.shape_cast %get3A_196 : vector<16xf32> to vector<1x16xf32>
      tpu.vector_store %arg5[%swap3A_383, %swap3A_384], %swap3A_387 {strides = array<i32>} : memref<128x512xf32, #tpu.memory_space<vmem>>, vector<1x16xf32>,
      %swap3A_388 = arith.constant 33 : i32
      %swap3A_389 = arith.index_cast %swap3A_388 : i32 to index
      %swap3A_390 = arith.index_cast %add3A_192 : i32 to index
      %swap3A_391 = tpu.vector_load %arg5[%swap3A_389, %swap3A_390] {strides = array<i32>} : memref<128x512xf32, #tpu.memory_space<vmem>>, vector<1x16xf32>,
      %swap3A_392 = vector.shape_cast %swap3A_391 : vector<1x16xf32> to vector<16xf32>
      %swap3A_393 = vector.shape_cast %get3A_196 : vector<16xf32> to vector<1x16xf32>
      tpu.vector_store %arg5[%swap3A_389, %swap3A_390], %swap3A_393 {strides = array<i32>} : memref<128x512xf32, #tpu.memory_space<vmem>>, vector<1x16xf32>,
      %swap3A_394 = arith.constant 34 : i32
      %swap3A_395 = arith.index_cast %swap3A_394 : i32 to index
      %swap3A_396 = arith.index_cast %add3A_192 : i32 to index
      %swap3A_397 = tpu.vector_load %arg5[%swap3A_395, %swap3A_396] {strides = array<i32>} : memref<128x512xf32, #tpu.memory_space<vmem>>, vector<1x16xf32>,
      %swap3A_398 = vector.shape_cast %swap3A_397 : vector<1x16xf32> to vector<16xf32>
      %swap3A_399 = vector.shape_cast %get3A_196 : vector<16xf32> to vector<1x16xf32>
      tpu.vector_store %arg5[%swap3A_395, %swap3A_396], %swap3A_399 {strides = array<i32>} : memref<128x512xf32, #tpu.memory_space<vmem>>, vector<1x16xf32>,
      %swap3A_400 = arith.constant 35 : i32
      %swap3A_401 = arith.index_cast %swap3A_400 : i32 to index
      %swap3A_402 = arith.index_cast %add3A_192 : i32 to index
      %swap3A_403 = tpu.vector_load %arg5[%swap3A_401, %swap3A_402] {strides = array<i32>} : memref<128x512xf32, #tpu.memory_space<vmem>>, vector<1x16xf32>,
      %swap3A_404 = vector.shape_cast %swap3A_403 : vector<1x16xf32> to vector<16xf32>
      %swap3A_405 = vector.shape_cast %get3A_196 : vector<16xf32> to vector<1x16xf32>
      tpu.vector_store %arg5[%swap3A_401, %swap3A_402], %swap3A_405 {strides = array<i32>} : memref<128x512xf32, #tpu.memory_space<vmem>>, vector<1x16xf32>,
      %swap3A_406 = arith.constant 36 : i32
      %swap3A_407 = arith.index_cast %swap3A_406 : i32 to index
      %swap3A_408 = arith.index_cast %add3A_192 : i32 to index
      %swap3A_409 = tpu.vector_load %arg5[%swap3A_407, %swap3A_408] {strides = array<i32>} : memref<128x512xf32, #tpu.memory_space<vmem>>, vector<1x16xf32>,
      %swap3A_410 = vector.shape_cast %swap3A_409 : vector<1x16xf32> to vector<16xf32>
      %swap3A_411 = vector.shape_cast %get3A_196 : vector<16xf32> to vector<1x16xf32>
      tpu.vector_store %arg5[%swap3A_407, %swap3A_408], %swap3A_411 {strides = array<i32>} : memref<128x512xf32, #tpu.memory_space<vmem>>, vector<1x16xf32>,
      %swap3A_412 = arith.constant 37 : i32
      %swap3A_413 = arith.index_cast %swap3A_412 : i32 to index
      %swap3A_414 = arith.index_cast %add3A_192 : i32 to index
      %swap3A_415 = tpu.vector_load %arg5[%swap3A_413, %swap3A_414] {strides = array<i32>} : memref<128x512xf32, #tpu.memory_space<vmem>>, vector<1x16xf32>,
      %swap3A_416 = vector.shape_cast %swap3A_415 : vector<1x16xf32> to vector<16xf32>
      %swap3A_417 = vector.shape_cast %get3A_196 : vector<16xf32> to vector<1x16xf32>
      tpu.vector_store %arg5[%swap3A_413, %swap3A_414], %swap3A_417 {strides = array<i32>} : memref<128x512xf32, #tpu.memory_space<vmem>>, vector<1x16xf32>,
      %swap3A_418 = arith.constant 38 : i32
      %swap3A_419 = arith.index_cast %swap3A_418 : i32 to index
      %swap3A_420 = arith.index_cast %add3A_192 : i32 to index
      %swap3A_421 = tpu.vector_load %arg5[%swap3A_419, %swap3A_420] {strides = array<i32>} : memref<128x512xf32, #tpu.memory_space<vmem>>, vector<1x16xf32>,
      %swap3A_422 = vector.shape_cast %swap3A_421 : vector<1x16xf32> to vector<16xf32>
      %swap3A_423 = vector.shape_cast %get3A_196 : vector<16xf32> to vector<1x16xf32>
      tpu.vector_store %arg5[%swap3A_419, %swap3A_420], %swap3A_423 {strides = array<i32>} : memref<128x512xf32, #tpu.memory_space<vmem>>, vector<1x16xf32>,
      %swap3A_424 = arith.constant 39 : i32
      %swap3A_425 = arith.index_cast %swap3A_424 : i32 to index
      %swap3A_426 = arith.index_cast %add3A_192 : i32 to index
      %swap3A_427 = tpu.vector_load %arg5[%swap3A_425, %swap3A_426] {strides = array<i32>} : memref<128x512xf32, #tpu.memory_space<vmem>>, vector<1x16xf32>,
      %swap3A_428 = vector.shape_cast %swap3A_427 : vector<1x16xf32> to vector<16xf32>
      %swap3A_429 = vector.shape_cast %get3A_196 : vector<16xf32> to vector<1x16xf32>
      tpu.vector_store %arg5[%swap3A_425, %swap3A_426], %swap3A_429 {strides = array<i32>} : memref<128x512xf32, #tpu.memory_space<vmem>>, vector<1x16xf32>,
      %swap3A_430 = arith.constant 40 : i32
      %swap3A_431 = arith.index_cast %swap3A_430 : i32 to index
      %swap3A_432 = arith.index_cast %add3A_192 : i32 to index
      %swap3A_433 = tpu.vector_load %arg5[%swap3A_431, %swap3A_432] {strides = array<i32>} : memref<128x512xf32, #tpu.memory_space<vmem>>, vector<1x16xf32>,
      %swap3A_434 = vector.shape_cast %swap3A_433 : vector<1x16xf32> to vector<16xf32>
      %swap3A_435 = vector.shape_cast %get3A_196 : vector<16xf32> to vector<1x16xf32>
      tpu.vector_store %arg5[%swap3A_431, %swap3A_432], %swap3A_435 {strides = array<i32>} : memref<128x512xf32, #tpu.memory_space<vmem>>, vector<1x16xf32>,
      %swap3A_436 = arith.constant 41 : i32
      %swap3A_437 = arith.index_cast %swap3A_436 : i32 to index
      %swap3A_438 = arith.index_cast %add3A_192 : i32 to index
      %swap3A_439 = tpu.vector_load %arg5[%swap3A_437, %swap3A_438] {strides = array<i32>} : memref<128x512xf32, #tpu.memory_space<vmem>>, vector<1x16xf32>,
      %swap3A_440 = vector.shape_cast %swap3A_439 : vector<1x16xf32> to vector<16xf32>
      %swap3A_441 = vector.shape_cast %get3A_196 : vector<16xf32> to vector<1x16xf32>
      tpu.vector_store %arg5[%swap3A_437, %swap3A_438], %swap3A_441 {strides = array<i32>} : memref<128x512xf32, #tpu.memory_space<vmem>>, vector<1x16xf32>,
      %swap3A_442 = arith.constant 42 : i32
      %swap3A_443 = arith.index_cast %swap3A_442 : i32 to index
      %swap3A_444 = arith.index_cast %add3A_192 : i32 to index
      %swap3A_445 = tpu.vector_load %arg5[%swap3A_443, %swap3A_444] {strides = array<i32>} : memref<128x512xf32, #tpu.memory_space<vmem>>, vector<1x16xf32>,
      %swap3A_446 = vector.shape_cast %swap3A_445 : vector<1x16xf32> to vector<16xf32>
      %swap3A_447 = vector.shape_cast %get3A_196 : vector<16xf32> to vector<1x16xf32>
      tpu.vector_store %arg5[%swap3A_443, %swap3A_444], %swap3A_447 {strides = array<i32>} : memref<128x512xf32, #tpu.memory_space<vmem>>, vector<1x16xf32>,
      %swap3A_448 = arith.constant 43 : i32
      %swap3A_449 = arith.index_cast %swap3A_448 : i32 to index
      %swap3A_450 = arith.index_cast %add3A_192 : i32 to index
      %swap3A_451 = tpu.vector_load %arg5[%swap3A_449, %swap3A_450] {strides = array<i32>} : memref<128x512xf32, #tpu.memory_space<vmem>>, vector<1x16xf32>,
      %swap3A_452 = vector.shape_cast %swap3A_451 : vector<1x16xf32> to vector<16xf32>
      %swap3A_453 = vector.shape_cast %get3A_196 : vector<16xf32> to vector<1x16xf32>
      tpu.vector_store %arg5[%swap3A_449, %swap3A_450], %swap3A_453 {strides = array<i32>} : memref<128x512xf32, #tpu.memory_space<vmem>>, vector<1x16xf32>,
      %swap3A_454 = arith.constant 44 : i32
      %swap3A_455 = arith.index_cast %swap3A_454 : i32 to index
      %swap3A_456 = arith.index_cast %add3A_192 : i32 to index
      %swap3A_457 = tpu.vector_load %arg5[%swap3A_455, %swap3A_456] {strides = array<i32>} : memref<128x512xf32, #tpu.memory_space<vmem>>, vector<1x16xf32>,
      %swap3A_458 = vector.shape_cast %swap3A_457 : vector<1x16xf32> to vector<16xf32>
      %swap3A_459 = vector.shape_cast %get3A_196 : vector<16xf32> to vector<1x16xf32>
      tpu.vector_store %arg5[%swap3A_455, %swap3A_456], %swap3A_459 {strides = array<i32>} : memref<128x512xf32, #tpu.memory_space<vmem>>, vector<1x16xf32>,
      %swap3A_460 = arith.constant 45 : i32
      %swap3A_461 = arith.index_cast %swap3A_460 : i32 to index
      %swap3A_462 = arith.index_cast %add3A_192 : i32 to index
      %swap3A_463 = tpu.vector_load %arg5[%swap3A_461, %swap3A_462] {strides = array<i32>} : memref<128x512xf32, #tpu.memory_space<vmem>>, vector<1x16xf32>,
      %swap3A_464 = vector.shape_cast %swap3A_463 : vector<1x16xf32> to vector<16xf32>
      %swap3A_465 = vector.shape_cast %get3A_196 : vector<16xf32> to vector<1x16xf32>
      tpu.vector_store %arg5[%swap3A_461, %swap3A_462], %swap3A_465 {strides = array<i32>} : memref<128x512xf32, #tpu.memory_space<vmem>>, vector<1x16xf32>,
      %swap3A_466 = arith.constant 46 : i32
      %swap3A_467 = arith.index_cast %swap3A_466 : i32 to index
      %swap3A_468 = arith.index_cast %add3A_192 : i32 to index
      %swap3A_469 = tpu.vector_load %arg5[%swap3A_467, %swap3A_468] {strides = array<i32>} : memref<128x512xf32, #tpu.memory_space<vmem>>, vector<1x16xf32>,
      %swap3A_470 = vector.shape_cast %swap3A_469 : vector<1x16xf32> to vector<16xf32>
      %swap3A_471 = vector.shape_cast %get3A_196 : vector<16xf32> to vector<1x16xf32>
      tpu.vector_store %arg5[%swap3A_467, %swap3A_468], %swap3A_471 {strides = array<i32>} : memref<128x512xf32, #tpu.memory_space<vmem>>, vector<1x16xf32>,
      %swap3A_472 = arith.constant 47 : i32
      %swap3A_473 = arith.index_cast %swap3A_472 : i32 to index
      %swap3A_474 = arith.index_cast %add3A_192 : i32 to index
      %swap3A_475 = tpu.vector_load %arg5[%swap3A_473, %swap3A_474] {strides = array<i32>} : memref<128x512xf32, #tpu.memory_space<vmem>>, vector<1x16xf32>,
      %swap3A_476 = vector.shape_cast %swap3A_475 : vector<1x16xf32> to vector<16xf32>
      %swap3A_477 = vector.shape_cast %get3A_196 : vector<16xf32> to vector<1x16xf32>
      tpu.vector_store %arg5[%swap3A_473, %swap3A_474], %swap3A_477 {strides = array<i32>} : memref<128x512xf32, #tpu.memory_space<vmem>>, vector<1x16xf32>,
      %swap3A_478 = arith.constant 48 : i32
      %swap3A_479 = arith.index_cast %swap3A_478 : i32 to index
      %swap3A_480 = arith.index_cast %add3A_192 : i32 to index
      %swap3A_481 = tpu.vector_load %arg5[%swap3A_479, %swap3A_480] {strides = array<i32>} : memref<128x512xf32, #tpu.memory_space<vmem>>, vector<1x16xf32>,
      %swap3A_482 = vector.shape_cast %swap3A_481 : vector<1x16xf32> to vector<16xf32>
      %swap3A_483 = vector.shape_cast %get3A_196 : vector<16xf32> to vector<1x16xf32>
      tpu.vector_store %arg5[%swap3A_479, %swap3A_480], %swap3A_483 {strides = array<i32>} : memref<128x512xf32, #tpu.memory_space<vmem>>, vector<1x16xf32>,
      %swap3A_484 = arith.constant 49 : i32
      %swap3A_485 = arith.index_cast %swap3A_484 : i32 to index
      %swap3A_486 = arith.index_cast %add3A_192 : i32 to index
      %swap3A_487 = tpu.vector_load %arg5[%swap3A_485, %swap3A_486] {strides = array<i32>} : memref<128x512xf32, #tpu.memory_space<vmem>>, vector<1x16xf32>,
      %swap3A_488 = vector.shape_cast %swap3A_487 : vector<1x16xf32> to vector<16xf32>
      %swap3A_489 = vector.shape_cast %get3A_196 : vector<16xf32> to vector<1x16xf32>
      tpu.vector_store %arg5[%swap3A_485, %swap3A_486], %swap3A_489 {strides = array<i32>} : memref<128x512xf32, #tpu.memory_space<vmem>>, vector<1x16xf32>,
      %swap3A_490 = arith.constant 50 : i32
      %swap3A_491 = arith.index_cast %swap3A_490 : i32 to index
      %swap3A_492 = arith.index_cast %add3A_192 : i32 to index
      %swap3A_493 = tpu.vector_load %arg5[%swap3A_491, %swap3A_492] {strides = array<i32>} : memref<128x512xf32, #tpu.memory_space<vmem>>, vector<1x16xf32>,
      %swap3A_494 = vector.shape_cast %swap3A_493 : vector<1x16xf32> to vector<16xf32>
      %swap3A_495 = vector.shape_cast %get3A_196 : vector<16xf32> to vector<1x16xf32>
      tpu.vector_store %arg5[%swap3A_491, %swap3A_492], %swap3A_495 {strides = array<i32>} : memref<128x512xf32, #tpu.memory_space<vmem>>, vector<1x16xf32>,
      %swap3A_496 = arith.constant 51 : i32
      %swap3A_497 = arith.index_cast %swap3A_496 : i32 to index
      %swap3A_498 = arith.index_cast %add3A_192 : i32 to index
      %swap3A_499 = tpu.vector_load %arg5[%swap3A_497, %swap3A_498] {strides = array<i32>} : memref<128x512xf32, #tpu.memory_space<vmem>>, vector<1x16xf32>,
      %swap3A_500 = vector.shape_cast %swap3A_499 : vector<1x16xf32> to vector<16xf32>
      %swap3A_501 = vector.shape_cast %get3A_196 : vector<16xf32> to vector<1x16xf32>
      tpu.vector_store %arg5[%swap3A_497, %swap3A_498], %swap3A_501 {strides = array<i32>} : memref<128x512xf32, #tpu.memory_space<vmem>>, vector<1x16xf32>,
      %swap3A_502 = arith.constant 52 : i32
      %swap3A_503 = arith.index_cast %swap3A_502 : i32 to index
      %swap3A_504 = arith.index_cast %add3A_192 : i32 to index
      %swap3A_505 = tpu.vector_load %arg5[%swap3A_503, %swap3A_504] {strides = array<i32>} : memref<128x512xf32, #tpu.memory_space<vmem>>, vector<1x16xf32>,
      %swap3A_506 = vector.shape_cast %swap3A_505 : vector<1x16xf32> to vector<16xf32>
      %swap3A_507 = vector.shape_cast %get3A_196 : vector<16xf32> to vector<1x16xf32>
      tpu.vector_store %arg5[%swap3A_503, %swap3A_504], %swap3A_507 {strides = array<i32>} : memref<128x512xf32, #tpu.memory_space<vmem>>, vector<1x16xf32>,
      %swap3A_508 = arith.constant 53 : i32
      %swap3A_509 = arith.index_cast %swap3A_508 : i32 to index
      %swap3A_510 = arith.index_cast %add3A_192 : i32 to index
      %swap3A_511 = tpu.vector_load %arg5[%swap3A_509, %swap3A_510] {strides = array<i32>} : memref<128x512xf32, #tpu.memory_space<vmem>>, vector<1x16xf32>,
      %swap3A_512 = vector.shape_cast %swap3A_511 : vector<1x16xf32> to vector<16xf32>
      %swap3A_513 = vector.shape_cast %get3A_196 : vector<16xf32> to vector<1x16xf32>
      tpu.vector_store %arg5[%swap3A_509, %swap3A_510], %swap3A_513 {strides = array<i32>} : memref<128x512xf32, #tpu.memory_space<vmem>>, vector<1x16xf32>,
      %swap3A_514 = arith.constant 54 : i32
      %swap3A_515 = arith.index_cast %swap3A_514 : i32 to index
      %swap3A_516 = arith.index_cast %add3A_192 : i32 to index
      %swap3A_517 = tpu.vector_load %arg5[%swap3A_515, %swap3A_516] {strides = array<i32>} : memref<128x512xf32, #tpu.memory_space<vmem>>, vector<1x16xf32>,
      %swap3A_518 = vector.shape_cast %swap3A_517 : vector<1x16xf32> to vector<16xf32>
      %swap3A_519 = vector.shape_cast %get3A_196 : vector<16xf32> to vector<1x16xf32>
      tpu.vector_store %arg5[%swap3A_515, %swap3A_516], %swap3A_519 {strides = array<i32>} : memref<128x512xf32, #tpu.memory_space<vmem>>, vector<1x16xf32>,
      %swap3A_520 = arith.constant 55 : i32
      %swap3A_521 = arith.index_cast %swap3A_520 : i32 to index
      %swap3A_522 = arith.index_cast %add3A_192 : i32 to index
      %swap3A_523 = tpu.vector_load %arg5[%swap3A_521, %swap3A_522] {strides = array<i32>} : memref<128x512xf32, #tpu.memory_space<vmem>>, vector<1x16xf32>,
      %swap3A_524 = vector.shape_cast %swap3A_523 : vector<1x16xf32> to vector<16xf32>
      %swap3A_525 = vector.shape_cast %get3A_196 : vector<16xf32> to vector<1x16xf32>
      tpu.vector_store %arg5[%swap3A_521, %swap3A_522], %swap3A_525 {strides = array<i32>} : memref<128x512xf32, #tpu.memory_space<vmem>>, vector<1x16xf32>,
      %swap3A_526 = arith.constant 56 : i32
      %swap3A_527 = arith.index_cast %swap3A_526 : i32 to index
      %swap3A_528 = arith.index_cast %add3A_192 : i32 to index
      %swap3A_529 = tpu.vector_load %arg5[%swap3A_527, %swap3A_528] {strides = array<i32>} : memref<128x512xf32, #tpu.memory_space<vmem>>, vector<1x16xf32>,
      %swap3A_530 = vector.shape_cast %swap3A_529 : vector<1x16xf32> to vector<16xf32>
      %swap3A_531 = vector.shape_cast %get3A_196 : vector<16xf32> to vector<1x16xf32>
      tpu.vector_store %arg5[%swap3A_527, %swap3A_528], %swap3A_531 {strides = array<i32>} : memref<128x512xf32, #tpu.memory_space<vmem>>, vector<1x16xf32>,
      %swap3A_532 = arith.constant 57 : i32
      %swap3A_533 = arith.index_cast %swap3A_532 : i32 to index
      %swap3A_534 = arith.index_cast %add3A_192 : i32 to index
      %swap3A_535 = tpu.vector_load %arg5[%swap3A_533, %swap3A_534] {strides = array<i32>} : memref<128x512xf32, #tpu.memory_space<vmem>>, vector<1x16xf32>,
      %swap3A_536 = vector.shape_cast %swap3A_535 : vector<1x16xf32> to vector<16xf32>
      %swap3A_537 = vector.shape_cast %get3A_196 : vector<16xf32> to vector<1x16xf32>
      tpu.vector_store %arg5[%swap3A_533, %swap3A_534], %swap3A_537 {strides = array<i32>} : memref<128x512xf32, #tpu.memory_space<vmem>>, vector<1x16xf32>,
      %swap3A_538 = arith.constant 58 : i32
      %swap3A_539 = arith.index_cast %swap3A_538 : i32 to index
      %swap3A_540 = arith.index_cast %add3A_192 : i32 to index
      %swap3A_541 = tpu.vector_load %arg5[%swap3A_539, %swap3A_540] {strides = array<i32>} : memref<128x512xf32, #tpu.memory_space<vmem>>, vector<1x16xf32>,
      %swap3A_542 = vector.shape_cast %swap3A_541 : vector<1x16xf32> to vector<16xf32>
      %swap3A_543 = vector.shape_cast %get3A_196 : vector<16xf32> to vector<1x16xf32>
      tpu.vector_store %arg5[%swap3A_539, %swap3A_540], %swap3A_543 {strides = array<i32>} : memref<128x512xf32, #tpu.memory_space<vmem>>, vector<1x16xf32>,
      %swap3A_544 = arith.constant 59 : i32
      %swap3A_545 = arith.index_cast %swap3A_544 : i32 to index
      %swap3A_546 = arith.index_cast %add3A_192 : i32 to index
      %swap3A_547 = tpu.vector_load %arg5[%swap3A_545, %swap3A_546] {strides = array<i32>} : memref<128x512xf32, #tpu.memory_space<vmem>>, vector<1x16xf32>,
      %swap3A_548 = vector.shape_cast %swap3A_547 : vector<1x16xf32> to vector<16xf32>
      %swap3A_549 = vector.shape_cast %get3A_196 : vector<16xf32> to vector<1x16xf32>
      tpu.vector_store %arg5[%swap3A_545, %swap3A_546], %swap3A_549 {strides = array<i32>} : memref<128x512xf32, #tpu.memory_space<vmem>>, vector<1x16xf32>,
      %swap3A_550 = arith.constant 60 : i32
      %swap3A_551 = arith.index_cast %swap3A_550 : i32 to index
      %swap3A_552 = arith.index_cast %add3A_192 : i32 to index
      %swap3A_553 = tpu.vector_load %arg5[%swap3A_551, %swap3A_552] {strides = array<i32>} : memref<128x512xf32, #tpu.memory_space<vmem>>, vector<1x16xf32>,
      %swap3A_554 = vector.shape_cast %swap3A_553 : vector<1x16xf32> to vector<16xf32>
      %swap3A_555 = vector.shape_cast %get3A_196 : vector<16xf32> to vector<1x16xf32>
      tpu.vector_store %arg5[%swap3A_551, %swap3A_552], %swap3A_555 {strides = array<i32>} : memref<128x512xf32, #tpu.memory_space<vmem>>, vector<1x16xf32>,
      %swap3A_556 = arith.constant 61 : i32
      %swap3A_557 = arith.index_cast %swap3A_556 : i32 to index
      %swap3A_558 = arith.index_cast %add3A_192 : i32 to index
      %swap3A_559 = tpu.vector_load %arg5[%swap3A_557, %swap3A_558] {strides = array<i32>} : memref<128x512xf32, #tpu.memory_space<vmem>>, vector<1x16xf32>,
      %swap3A_560 = vector.shape_cast %swap3A_559 : vector<1x16xf32> to vector<16xf32>
      %swap3A_561 = vector.shape_cast %get3A_196 : vector<16xf32> to vector<1x16xf32>
      tpu.vector_store %arg5[%swap3A_557, %swap3A_558], %swap3A_561 {strides = array<i32>} : memref<128x512xf32, #tpu.memory_space<vmem>>, vector<1x16xf32>,
      %swap3A_562 = arith.constant 62 : i32
      %swap3A_563 = arith.index_cast %swap3A_562 : i32 to index
      %swap3A_564 = arith.index_cast %add3A_192 : i32 to index
      %swap3A_565 = tpu.vector_load %arg5[%swap3A_563, %swap3A_564] {strides = array<i32>} : memref<128x512xf32, #tpu.memory_space<vmem>>, vector<1x16xf32>,
      %swap3A_566 = vector.shape_cast %swap3A_565 : vector<1x16xf32> to vector<16xf32>
      %swap3A_567 = vector.shape_cast %get3A_196 : vector<16xf32> to vector<1x16xf32>
      tpu.vector_store %arg5[%swap3A_563, %swap3A_564], %swap3A_567 {strides = array<i32>} : memref<128x512xf32, #tpu.memory_space<vmem>>, vector<1x16xf32>,
      %swap3A_568 = arith.constant 63 : i32
      %swap3A_569 = arith.index_cast %swap3A_568 : i32 to index
      %swap3A_570 = arith.index_cast %add3A_192 : i32 to index
      %swap3A_571 = tpu.vector_load %arg5[%swap3A_569, %swap3A_570] {strides = array<i32>} : memref<128x512xf32, #tpu.memory_space<vmem>>, vector<1x16xf32>,
      %swap3A_572 = vector.shape_cast %swap3A_571 : vector<1x16xf32> to vector<16xf32>
      %swap3A_573 = vector.shape_cast %get3A_196 : vector<16xf32> to vector<1x16xf32>
      tpu.vector_store %arg5[%swap3A_569, %swap3A_570], %swap3A_573 {strides = array<i32>} : memref<128x512xf32, #tpu.memory_space<vmem>>, vector<1x16xf32>,
      %swap3A_574 = arith.constant 64 : i32
      %swap3A_575 = arith.index_cast %swap3A_574 : i32 to index
      %swap3A_576 = arith.index_cast %add3A_192 : i32 to index
      %swap3A_577 = tpu.vector_load %arg5[%swap3A_575, %swap3A_576] {strides = array<i32>} : memref<128x512xf32, #tpu.memory_space<vmem>>, vector<1x16xf32>,
      %swap3A_578 = vector.shape_cast %swap3A_577 : vector<1x16xf32> to vector<16xf32>
      %swap3A_579 = vector.shape_cast %get3A_196 : vector<16xf32> to vector<1x16xf32>
      tpu.vector_store %arg5[%swap3A_575, %swap3A_576], %swap3A_579 {strides = array<i32>} : memref<128x512xf32, #tpu.memory_space<vmem>>, vector<1x16xf32>,
      %swap3A_580 = arith.constant 65 : i32
      %swap3A_581 = arith.index_cast %swap3A_580 : i32 to index
      %swap3A_582 = arith.index_cast %add3A_192 : i32 to index
      %swap3A_583 = tpu.vector_load %arg5[%swap3A_581, %swap3A_582] {strides = array<i32>} : memref<128x512xf32, #tpu.memory_space<vmem>>, vector<1x16xf32>,
      %swap3A_584 = vector.shape_cast %swap3A_583 : vector<1x16xf32> to vector<16xf32>
      %swap3A_585 = vector.shape_cast %get3A_196 : vector<16xf32> to vector<1x16xf32>
      tpu.vector_store %arg5[%swap3A_581, %swap3A_582], %swap3A_585 {strides = array<i32>} : memref<128x512xf32, #tpu.memory_space<vmem>>, vector<1x16xf32>,
      %swap3A_586 = arith.constant 66 : i32
      %swap3A_587 = arith.index_cast %swap3A_586 : i32 to index
      %swap3A_588 = arith.index_cast %add3A_192 : i32 to index
      %swap3A_589 = tpu.vector_load %arg5[%swap3A_587, %swap3A_588] {strides = array<i32>} : memref<128x512xf32, #tpu.memory_space<vmem>>, vector<1x16xf32>,
      %swap3A_590 = vector.shape_cast %swap3A_589 : vector<1x16xf32> to vector<16xf32>
      %swap3A_591 = vector.shape_cast %get3A_196 : vector<16xf32> to vector<1x16xf32>
      tpu.vector_store %arg5[%swap3A_587, %swap3A_588], %swap3A_591 {strides = array<i32>} : memref<128x512xf32, #tpu.memory_space<vmem>>, vector<1x16xf32>,
      %swap3A_592 = arith.constant 67 : i32
      %swap3A_593 = arith.index_cast %swap3A_592 : i32 to index
      %swap3A_594 = arith.index_cast %add3A_192 : i32 to index
      %swap3A_595 = tpu.vector_load %arg5[%swap3A_593, %swap3A_594] {strides = array<i32>} : memref<128x512xf32, #tpu.memory_space<vmem>>, vector<1x16xf32>,
      %swap3A_596 = vector.shape_cast %swap3A_595 : vector<1x16xf32> to vector<16xf32>
      %swap3A_597 = vector.shape_cast %get3A_196 : vector<16xf32> to vector<1x16xf32>
      tpu.vector_store %arg5[%swap3A_593, %swap3A_594], %swap3A_597 {strides = array<i32>} : memref<128x512xf32, #tpu.memory_space<vmem>>, vector<1x16xf32>,
      %swap3A_598 = arith.constant 68 : i32
      %swap3A_599 = arith.index_cast %swap3A_598 : i32 to index
      %swap3A_600 = arith.index_cast %add3A_192 : i32 to index
      %swap3A_601 = tpu.vector_load %arg5[%swap3A_599, %swap3A_600] {strides = array<i32>} : memref<128x512xf32, #tpu.memory_space<vmem>>, vector<1x16xf32>,
      %swap3A_602 = vector.shape_cast %swap3A_601 : vector<1x16xf32> to vector<16xf32>
      %swap3A_603 = vector.shape_cast %get3A_196 : vector<16xf32> to vector<1x16xf32>
      tpu.vector_store %arg5[%swap3A_599, %swap3A_600], %swap3A_603 {strides = array<i32>} : memref<128x512xf32, #tpu.memory_space<vmem>>, vector<1x16xf32>,
      %swap3A_604 = arith.constant 69 : i32
      %swap3A_605 = arith.index_cast %swap3A_604 : i32 to index
      %swap3A_606 = arith.index_cast %add3A_192 : i32 to index
      %swap3A_607 = tpu.vector_load %arg5[%swap3A_605, %swap3A_606] {strides = array<i32>} : memref<128x512xf32, #tpu.memory_space<vmem>>, vector<1x16xf32>,
      %swap3A_608 = vector.shape_cast %swap3A_607 : vector<1x16xf32> to vector<16xf32>
      %swap3A_609 = vector.shape_cast %get3A_196 : vector<16xf32> to vector<1x16xf32>
      tpu.vector_store %arg5[%swap3A_605, %swap3A_606], %swap3A_609 {strides = array<i32>} : memref<128x512xf32, #tpu.memory_space<vmem>>, vector<1x16xf32>,
      %swap3A_610 = arith.constant 70 : i32
      %swap3A_611 = arith.index_cast %swap3A_610 : i32 to index
      %swap3A_612 = arith.index_cast %add3A_192 : i32 to index
      %swap3A_613 = tpu.vector_load %arg5[%swap3A_611, %swap3A_612] {strides = array<i32>} : memref<128x512xf32, #tpu.memory_space<vmem>>, vector<1x16xf32>,
      %swap3A_614 = vector.shape_cast %swap3A_613 : vector<1x16xf32> to vector<16xf32>
      %swap3A_615 = vector.shape_cast %get3A_196 : vector<16xf32> to vector<1x16xf32>
      tpu.vector_store %arg5[%swap3A_611, %swap3A_612], %swap3A_615 {strides = array<i32>} : memref<128x512xf32, #tpu.memory_space<vmem>>, vector<1x16xf32>,
      %swap3A_616 = arith.constant 71 : i32
      %swap3A_617 = arith.index_cast %swap3A_616 : i32 to index
      %swap3A_618 = arith.index_cast %add3A_192 : i32 to index
      %swap3A_619 = tpu.vector_load %arg5[%swap3A_617, %swap3A_618] {strides = array<i32>} : memref<128x512xf32, #tpu.memory_space<vmem>>, vector<1x16xf32>,
      %swap3A_620 = vector.shape_cast %swap3A_619 : vector<1x16xf32> to vector<16xf32>
      %swap3A_621 = vector.shape_cast %get3A_196 : vector<16xf32> to vector<1x16xf32>
      tpu.vector_store %arg5[%swap3A_617, %swap3A_618], %swap3A_621 {strides = array<i32>} : memref<128x512xf32, #tpu.memory_space<vmem>>, vector<1x16xf32>,
      %swap3A_622 = arith.constant 72 : i32
      %swap3A_623 = arith.index_cast %swap3A_622 : i32 to index
      %swap3A_624 = arith.index_cast %add3A_192 : i32 to index
      %swap3A_625 = tpu.vector_load %arg5[%swap3A_623, %swap3A_624] {strides = array<i32>} : memref<128x512xf32, #tpu.memory_space<vmem>>, vector<1x16xf32>,
      %swap3A_626 = vector.shape_cast %swap3A_625 : vector<1x16xf32> to vector<16xf32>
      %swap3A_627 = vector.shape_cast %get3A_196 : vector<16xf32> to vector<1x16xf32>
      tpu.vector_store %arg5[%swap3A_623, %swap3A_624], %swap3A_627 {strides = array<i32>} : memref<128x512xf32, #tpu.memory_space<vmem>>, vector<1x16xf32>,
      %swap3A_628 = arith.constant 73 : i32
      %swap3A_629 = arith.index_cast %swap3A_628 : i32 to index
      %swap3A_630 = arith.index_cast %add3A_192 : i32 to index
      %swap3A_631 = tpu.vector_load %arg5[%swap3A_629, %swap3A_630] {strides = array<i32>} : memref<128x512xf32, #tpu.memory_space<vmem>>, vector<1x16xf32>,
      %swap3A_632 = vector.shape_cast %swap3A_631 : vector<1x16xf32> to vector<16xf32>
      %swap3A_633 = vector.shape_cast %get3A_196 : vector<16xf32> to vector<1x16xf32>
      tpu.vector_store %arg5[%swap3A_629, %swap3A_630], %swap3A_633 {strides = array<i32>} : memref<128x512xf32, #tpu.memory_space<vmem>>, vector<1x16xf32>,
      %swap3A_634 = arith.constant 74 : i32
      %swap3A_635 = arith.index_cast %swap3A_634 : i32 to index
      %swap3A_636 = arith.index_cast %add3A_192 : i32 to index
      %swap3A_637 = tpu.vector_load %arg5[%swap3A_635, %swap3A_636] {strides = array<i32>} : memref<128x512xf32, #tpu.memory_space<vmem>>, vector<1x16xf32>,
      %swap3A_638 = vector.shape_cast %swap3A_637 : vector<1x16xf32> to vector<16xf32>
      %swap3A_639 = vector.shape_cast %get3A_196 : vector<16xf32> to vector<1x16xf32>
      tpu.vector_store %arg5[%swap3A_635, %swap3A_636], %swap3A_639 {strides = array<i32>} : memref<128x512xf32, #tpu.memory_space<vmem>>, vector<1x16xf32>,
      %swap3A_640 = arith.constant 75 : i32
      %swap3A_641 = arith.index_cast %swap3A_640 : i32 to index
      %swap3A_642 = arith.index_cast %add3A_192 : i32 to index
      %swap3A_643 = tpu.vector_load %arg5[%swap3A_641, %swap3A_642] {strides = array<i32>} : memref<128x512xf32, #tpu.memory_space<vmem>>, vector<1x16xf32>,
      %swap3A_644 = vector.shape_cast %swap3A_643 : vector<1x16xf32> to vector<16xf32>
      %swap3A_645 = vector.shape_cast %get3A_196 : vector<16xf32> to vector<1x16xf32>
      tpu.vector_store %arg5[%swap3A_641, %swap3A_642], %swap3A_645 {strides = array<i32>} : memref<128x512xf32, #tpu.memory_space<vmem>>, vector<1x16xf32>,
      %swap3A_646 = arith.constant 76 : i32
      %swap3A_647 = arith.index_cast %swap3A_646 : i32 to index
      %swap3A_648 = arith.index_cast %add3A_192 : i32 to index
      %swap3A_649 = tpu.vector_load %arg5[%swap3A_647, %swap3A_648] {strides = array<i32>} : memref<128x512xf32, #tpu.memory_space<vmem>>, vector<1x16xf32>,
      %swap3A_650 = vector.shape_cast %swap3A_649 : vector<1x16xf32> to vector<16xf32>
      %swap3A_651 = vector.shape_cast %get3A_196 : vector<16xf32> to vector<1x16xf32>
      tpu.vector_store %arg5[%swap3A_647, %swap3A_648], %swap3A_651 {strides = array<i32>} : memref<128x512xf32, #tpu.memory_space<vmem>>, vector<1x16xf32>,
      %swap3A_652 = arith.constant 77 : i32
      %swap3A_653 = arith.index_cast %swap3A_652 : i32 to index
      %swap3A_654 = arith.index_cast %add3A_192 : i32 to index
      %swap3A_655 = tpu.vector_load %arg5[%swap3A_653, %swap3A_654] {strides = array<i32>} : memref<128x512xf32, #tpu.memory_space<vmem>>, vector<1x16xf32>,
      %swap3A_656 = vector.shape_cast %swap3A_655 : vector<1x16xf32> to vector<16xf32>
      %swap3A_657 = vector.shape_cast %get3A_196 : vector<16xf32> to vector<1x16xf32>
      tpu.vector_store %arg5[%swap3A_653, %swap3A_654], %swap3A_657 {strides = array<i32>} : memref<128x512xf32, #tpu.memory_space<vmem>>, vector<1x16xf32>,
      %swap3A_658 = arith.constant 78 : i32
      %swap3A_659 = arith.index_cast %swap3A_658 : i32 to index
      %swap3A_660 = arith.index_cast %add3A_192 : i32 to index
      %swap3A_661 = tpu.vector_load %arg5[%swap3A_659, %swap3A_660] {strides = array<i32>} : memref<128x512xf32, #tpu.memory_space<vmem>>, vector<1x16xf32>,
      %swap3A_662 = vector.shape_cast %swap3A_661 : vector<1x16xf32> to vector<16xf32>
      %swap3A_663 = vector.shape_cast %get3A_196 : vector<16xf32> to vector<1x16xf32>
      tpu.vector_store %arg5[%swap3A_659, %swap3A_660], %swap3A_663 {strides = array<i32>} : memref<128x512xf32, #tpu.memory_space<vmem>>, vector<1x16xf32>,
      %swap3A_664 = arith.constant 79 : i32
      %swap3A_665 = arith.index_cast %swap3A_664 : i32 to index
      %swap3A_666 = arith.index_cast %add3A_192 : i32 to index
      %swap3A_667 = tpu.vector_load %arg5[%swap3A_665, %swap3A_666] {strides = array<i32>} : memref<128x512xf32, #tpu.memory_space<vmem>>, vector<1x16xf32>,
      %swap3A_668 = vector.shape_cast %swap3A_667 : vector<1x16xf32> to vector<16xf32>
      %swap3A_669 = vector.shape_cast %get3A_196 : vector<16xf32> to vector<1x16xf32>
      tpu.vector_store %arg5[%swap3A_665, %swap3A_666], %swap3A_669 {strides = array<i32>} : memref<128x512xf32, #tpu.memory_space<vmem>>, vector<1x16xf32>,
      %swap3A_670 = arith.constant 80 : i32
      %swap3A_671 = arith.index_cast %swap3A_670 : i32 to index
      %swap3A_672 = arith.index_cast %add3A_192 : i32 to index
      %swap3A_673 = tpu.vector_load %arg5[%swap3A_671, %swap3A_672] {strides = array<i32>} : memref<128x512xf32, #tpu.memory_space<vmem>>, vector<1x16xf32>,
      %swap3A_674 = vector.shape_cast %swap3A_673 : vector<1x16xf32> to vector<16xf32>
      %swap3A_675 = vector.shape_cast %get3A_196 : vector<16xf32> to vector<1x16xf32>
      tpu.vector_store %arg5[%swap3A_671, %swap3A_672], %swap3A_675 {strides = array<i32>} : memref<128x512xf32, #tpu.memory_space<vmem>>, vector<1x16xf32>,
      %swap3A_676 = arith.constant 81 : i32
      %swap3A_677 = arith.index_cast %swap3A_676 : i32 to index
      %swap3A_678 = arith.index_cast %add3A_192 : i32 to index
      %swap3A_679 = tpu.vector_load %arg5[%swap3A_677, %swap3A_678] {strides = array<i32>} : memref<128x512xf32, #tpu.memory_space<vmem>>, vector<1x16xf32>,
      %swap3A_680 = vector.shape_cast %swap3A_679 : vector<1x16xf32> to vector<16xf32>
      %swap3A_681 = vector.shape_cast %get3A_196 : vector<16xf32> to vector<1x16xf32>
      tpu.vector_store %arg5[%swap3A_677, %swap3A_678], %swap3A_681 {strides = array<i32>} : memref<128x512xf32, #tpu.memory_space<vmem>>, vector<1x16xf32>,
      %swap3A_682 = arith.constant 82 : i32
      %swap3A_683 = arith.index_cast %swap3A_682 : i32 to index
      %swap3A_684 = arith.index_cast %add3A_192 : i32 to index
      %swap3A_685 = tpu.vector_load %arg5[%swap3A_683, %swap3A_684] {strides = array<i32>} : memref<128x512xf32, #tpu.memory_space<vmem>>, vector<1x16xf32>,
      %swap3A_686 = vector.shape_cast %swap3A_685 : vector<1x16xf32> to vector<16xf32>
      %swap3A_687 = vector.shape_cast %get3A_196 : vector<16xf32> to vector<1x16xf32>
      tpu.vector_store %arg5[%swap3A_683, %swap3A_684], %swap3A_687 {strides = array<i32>} : memref<128x512xf32, #tpu.memory_space<vmem>>, vector<1x16xf32>,
      %swap3A_688 = arith.constant 83 : i32
      %swap3A_689 = arith.index_cast %swap3A_688 : i32 to index
      %swap3A_690 = arith.index_cast %add3A_192 : i32 to index
      %swap3A_691 = tpu.vector_load %arg5[%swap3A_689, %swap3A_690] {strides = array<i32>} : memref<128x512xf32, #tpu.memory_space<vmem>>, vector<1x16xf32>,
      %swap3A_692 = vector.shape_cast %swap3A_691 : vector<1x16xf32> to vector<16xf32>
      %swap3A_693 = vector.shape_cast %get3A_196 : vector<16xf32> to vector<1x16xf32>
      tpu.vector_store %arg5[%swap3A_689, %swap3A_690], %swap3A_693 {strides = array<i32>} : memref<128x512xf32, #tpu.memory_space<vmem>>, vector<1x16xf32>,
      %swap3A_694 = arith.constant 84 : i32
      %swap3A_695 = arith.index_cast %swap3A_694 : i32 to index
      %swap3A_696 = arith.index_cast %add3A_192 : i32 to index
      %swap3A_697 = tpu.vector_load %arg5[%swap3A_695, %swap3A_696] {strides = array<i32>} : memref<128x512xf32, #tpu.memory_space<vmem>>, vector<1x16xf32>,
      %swap3A_698 = vector.shape_cast %swap3A_697 : vector<1x16xf32> to vector<16xf32>
      %swap3A_699 = vector.shape_cast %get3A_196 : vector<16xf32> to vector<1x16xf32>
      tpu.vector_store %arg5[%swap3A_695, %swap3A_696], %swap3A_699 {strides = array<i32>} : memref<128x512xf32, #tpu.memory_space<vmem>>, vector<1x16xf32>,
      %swap3A_700 = arith.constant 85 : i32
      %swap3A_701 = arith.index_cast %swap3A_700 : i32 to index
      %swap3A_702 = arith.index_cast %add3A_192 : i32 to index
      %swap3A_703 = tpu.vector_load %arg5[%swap3A_701, %swap3A_702] {strides = array<i32>} : memref<128x512xf32, #tpu.memory_space<vmem>>, vector<1x16xf32>,
      %swap3A_704 = vector.shape_cast %swap3A_703 : vector<1x16xf32> to vector<16xf32>
      %swap3A_705 = vector.shape_cast %get3A_196 : vector<16xf32> to vector<1x16xf32>
      tpu.vector_store %arg5[%swap3A_701, %swap3A_702], %swap3A_705 {strides = array<i32>} : memref<128x512xf32, #tpu.memory_space<vmem>>, vector<1x16xf32>,
      %swap3A_706 = arith.constant 86 : i32
      %swap3A_707 = arith.index_cast %swap3A_706 : i32 to index
      %swap3A_708 = arith.index_cast %add3A_192 : i32 to index
      %swap3A_709 = tpu.vector_load %arg5[%swap3A_707, %swap3A_708] {strides = array<i32>} : memref<128x512xf32, #tpu.memory_space<vmem>>, vector<1x16xf32>,
      %swap3A_710 = vector.shape_cast %swap3A_709 : vector<1x16xf32> to vector<16xf32>
      %swap3A_711 = vector.shape_cast %get3A_196 : vector<16xf32> to vector<1x16xf32>
      tpu.vector_store %arg5[%swap3A_707, %swap3A_708], %swap3A_711 {strides = array<i32>} : memref<128x512xf32, #tpu.memory_space<vmem>>, vector<1x16xf32>,
      %swap3A_712 = arith.constant 87 : i32
      %swap3A_713 = arith.index_cast %swap3A_712 : i32 to index
      %swap3A_714 = arith.index_cast %add3A_192 : i32 to index
      %swap3A_715 = tpu.vector_load %arg5[%swap3A_713, %swap3A_714] {strides = array<i32>} : memref<128x512xf32, #tpu.memory_space<vmem>>, vector<1x16xf32>,
      %swap3A_716 = vector.shape_cast %swap3A_715 : vector<1x16xf32> to vector<16xf32>
      %swap3A_717 = vector.shape_cast %get3A_196 : vector<16xf32> to vector<1x16xf32>
      tpu.vector_store %arg5[%swap3A_713, %swap3A_714], %swap3A_717 {strides = array<i32>} : memref<128x512xf32, #tpu.memory_space<vmem>>, vector<1x16xf32>,
      %swap3A_718 = arith.constant 88 : i32
      %swap3A_719 = arith.index_cast %swap3A_718 : i32 to index
      %swap3A_720 = arith.index_cast %add3A_192 : i32 to index
      %swap3A_721 = tpu.vector_load %arg5[%swap3A_719, %swap3A_720] {strides = array<i32>} : memref<128x512xf32, #tpu.memory_space<vmem>>, vector<1x16xf32>,
      %swap3A_722 = vector.shape_cast %swap3A_721 : vector<1x16xf32> to vector<16xf32>
      %swap3A_723 = vector.shape_cast %get3A_196 : vector<16xf32> to vector<1x16xf32>
      tpu.vector_store %arg5[%swap3A_719, %swap3A_720], %swap3A_723 {strides = array<i32>} : memref<128x512xf32, #tpu.memory_space<vmem>>, vector<1x16xf32>,
      %swap3A_724 = arith.constant 89 : i32
      %swap3A_725 = arith.index_cast %swap3A_724 : i32 to index
      %swap3A_726 = arith.index_cast %add3A_192 : i32 to index
      %swap3A_727 = tpu.vector_load %arg5[%swap3A_725, %swap3A_726] {strides = array<i32>} : memref<128x512xf32, #tpu.memory_space<vmem>>, vector<1x16xf32>,
      %swap3A_728 = vector.shape_cast %swap3A_727 : vector<1x16xf32> to vector<16xf32>
      %swap3A_729 = vector.shape_cast %get3A_196 : vector<16xf32> to vector<1x16xf32>
      tpu.vector_store %arg5[%swap3A_725, %swap3A_726], %swap3A_729 {strides = array<i32>} : memref<128x512xf32, #tpu.memory_space<vmem>>, vector<1x16xf32>,
      %swap3A_730 = arith.constant 90 : i32
      %swap3A_731 = arith.index_cast %swap3A_730 : i32 to index
      %swap3A_732 = arith.index_cast %add3A_192 : i32 to index
      %swap3A_733 = tpu.vector_load %arg5[%swap3A_731, %swap3A_732] {strides = array<i32>} : memref<128x512xf32, #tpu.memory_space<vmem>>, vector<1x16xf32>,
      %swap3A_734 = vector.shape_cast %swap3A_733 : vector<1x16xf32> to vector<16xf32>
      %swap3A_735 = vector.shape_cast %get3A_196 : vector<16xf32> to vector<1x16xf32>
      tpu.vector_store %arg5[%swap3A_731, %swap3A_732], %swap3A_735 {strides = array<i32>} : memref<128x512xf32, #tpu.memory_space<vmem>>, vector<1x16xf32>,
      %swap3A_736 = arith.constant 91 : i32
      %swap3A_737 = arith.index_cast %swap3A_736 : i32 to index
      %swap3A_738 = arith.index_cast %add3A_192 : i32 to index
      %swap3A_739 = tpu.vector_load %arg5[%swap3A_737, %swap3A_738] {strides = array<i32>} : memref<128x512xf32, #tpu.memory_space<vmem>>, vector<1x16xf32>,
      %swap3A_740 = vector.shape_cast %swap3A_739 : vector<1x16xf32> to vector<16xf32>
      %swap3A_741 = vector.shape_cast %get3A_196 : vector<16xf32> to vector<1x16xf32>
      tpu.vector_store %arg5[%swap3A_737, %swap3A_738], %swap3A_741 {strides = array<i32>} : memref<128x512xf32, #tpu.memory_space<vmem>>, vector<1x16xf32>,
      %swap3A_742 = arith.constant 92 : i32
      %swap3A_743 = arith.index_cast %swap3A_742 : i32 to index
      %swap3A_744 = arith.index_cast %add3A_192 : i32 to index
      %swap3A_745 = tpu.vector_load %arg5[%swap3A_743, %swap3A_744] {strides = array<i32>} : memref<128x512xf32, #tpu.memory_space<vmem>>, vector<1x16xf32>,
      %swap3A_746 = vector.shape_cast %swap3A_745 : vector<1x16xf32> to vector<16xf32>
      %swap3A_747 = vector.shape_cast %get3A_196 : vector<16xf32> to vector<1x16xf32>
      tpu.vector_store %arg5[%swap3A_743, %swap3A_744], %swap3A_747 {strides = array<i32>} : memref<128x512xf32, #tpu.memory_space<vmem>>, vector<1x16xf32>,
      %swap3A_748 = arith.constant 93 : i32
      %swap3A_749 = arith.index_cast %swap3A_748 : i32 to index
      %swap3A_750 = arith.index_cast %add3A_192 : i32 to index
      %swap3A_751 = tpu.vector_load %arg5[%swap3A_749, %swap3A_750] {strides = array<i32>} : memref<128x512xf32, #tpu.memory_space<vmem>>, vector<1x16xf32>,
      %swap3A_752 = vector.shape_cast %swap3A_751 : vector<1x16xf32> to vector<16xf32>
      %swap3A_753 = vector.shape_cast %get3A_196 : vector<16xf32> to vector<1x16xf32>
      tpu.vector_store %arg5[%swap3A_749, %swap3A_750], %swap3A_753 {strides = array<i32>} : memref<128x512xf32, #tpu.memory_space<vmem>>, vector<1x16xf32>,
      %swap3A_754 = arith.constant 94 : i32
      %swap3A_755 = arith.index_cast %swap3A_754 : i32 to index
      %swap3A_756 = arith.index_cast %add3A_192 : i32 to index
      %swap3A_757 = tpu.vector_load %arg5[%swap3A_755, %swap3A_756] {strides = array<i32>} : memref<128x512xf32, #tpu.memory_space<vmem>>, vector<1x16xf32>,
      %swap3A_758 = vector.shape_cast %swap3A_757 : vector<1x16xf32> to vector<16xf32>
      %swap3A_759 = vector.shape_cast %get3A_196 : vector<16xf32> to vector<1x16xf32>
      tpu.vector_store %arg5[%swap3A_755, %swap3A_756], %swap3A_759 {strides = array<i32>} : memref<128x512xf32, #tpu.memory_space<vmem>>, vector<1x16xf32>,
      %swap3A_760 = arith.constant 95 : i32
      %swap3A_761 = arith.index_cast %swap3A_760 : i32 to index
      %swap3A_762 = arith.index_cast %add3A_192 : i32 to index
      %swap3A_763 = tpu.vector_load %arg5[%swap3A_761, %swap3A_762] {strides = array<i32>} : memref<128x512xf32, #tpu.memory_space<vmem>>, vector<1x16xf32>,
      %swap3A_764 = vector.shape_cast %swap3A_763 : vector<1x16xf32> to vector<16xf32>
      %swap3A_765 = vector.shape_cast %get3A_196 : vector<16xf32> to vector<1x16xf32>
      tpu.vector_store %arg5[%swap3A_761, %swap3A_762], %swap3A_765 {strides = array<i32>} : memref<128x512xf32, #tpu.memory_space<vmem>>, vector<1x16xf32>,
      %swap3A_766 = arith.constant 96 : i32
      %swap3A_767 = arith.index_cast %swap3A_766 : i32 to index
      %swap3A_768 = arith.index_cast %add3A_192 : i32 to index
      %swap3A_769 = tpu.vector_load %arg5[%swap3A_767, %swap3A_768] {strides = array<i32>} : memref<128x512xf32, #tpu.memory_space<vmem>>, vector<1x16xf32>,
      %swap3A_770 = vector.shape_cast %swap3A_769 : vector<1x16xf32> to vector<16xf32>
      %swap3A_771 = vector.shape_cast %get3A_196 : vector<16xf32> to vector<1x16xf32>
      tpu.vector_store %arg5[%swap3A_767, %swap3A_768], %swap3A_771 {strides = array<i32>} : memref<128x512xf32, #tpu.memory_space<vmem>>, vector<1x16xf32>,
      %swap3A_772 = arith.constant 97 : i32
      %swap3A_773 = arith.index_cast %swap3A_772 : i32 to index
      %swap3A_774 = arith.index_cast %add3A_192 : i32 to index
      %swap3A_775 = tpu.vector_load %arg5[%swap3A_773, %swap3A_774] {strides = array<i32>} : memref<128x512xf32, #tpu.memory_space<vmem>>, vector<1x16xf32>,
      %swap3A_776 = vector.shape_cast %swap3A_775 : vector<1x16xf32> to vector<16xf32>
      %swap3A_777 = vector.shape_cast %get3A_196 : vector<16xf32> to vector<1x16xf32>
      tpu.vector_store %arg5[%swap3A_773, %swap3A_774], %swap3A_777 {strides = array<i32>} : memref<128x512xf32, #tpu.memory_space<vmem>>, vector<1x16xf32>,
      %swap3A_778 = arith.constant 98 : i32
      %swap3A_779 = arith.index_cast %swap3A_778 : i32 to index
      %swap3A_780 = arith.index_cast %add3A_192 : i32 to index
      %swap3A_781 = tpu.vector_load %arg5[%swap3A_779, %swap3A_780] {strides = array<i32>} : memref<128x512xf32, #tpu.memory_space<vmem>>, vector<1x16xf32>,
      %swap3A_782 = vector.shape_cast %swap3A_781 : vector<1x16xf32> to vector<16xf32>
      %swap3A_783 = vector.shape_cast %get3A_196 : vector<16xf32> to vector<1x16xf32>
      tpu.vector_store %arg5[%swap3A_779, %swap3A_780], %swap3A_783 {strides = array<i32>} : memref<128x512xf32, #tpu.memory_space<vmem>>, vector<1x16xf32>,
      %swap3A_784 = arith.constant 99 : i32
      %swap3A_785 = arith.index_cast %swap3A_784 : i32 to index
      %swap3A_786 = arith.index_cast %add3A_192 : i32 to index
      %swap3A_787 = tpu.vector_load %arg5[%swap3A_785, %swap3A_786] {strides = array<i32>} : memref<128x512xf32, #tpu.memory_space<vmem>>, vector<1x16xf32>,
      %swap3A_788 = vector.shape_cast %swap3A_787 : vector<1x16xf32> to vector<16xf32>
      %swap3A_789 = vector.shape_cast %get3A_196 : vector<16xf32> to vector<1x16xf32>
      tpu.vector_store %arg5[%swap3A_785, %swap3A_786], %swap3A_789 {strides = array<i32>} : memref<128x512xf32, #tpu.memory_space<vmem>>, vector<1x16xf32>,
      %swap3A_790 = arith.constant 100 : i32
      %swap3A_791 = arith.index_cast %swap3A_790 : i32 to index
      %swap3A_792 = arith.index_cast %add3A_192 : i32 to index
      %swap3A_793 = tpu.vector_load %arg5[%swap3A_791, %swap3A_792] {strides = array<i32>} : memref<128x512xf32, #tpu.memory_space<vmem>>, vector<1x16xf32>,
      %swap3A_794 = vector.shape_cast %swap3A_793 : vector<1x16xf32> to vector<16xf32>
      %swap3A_795 = vector.shape_cast %get3A_196 : vector<16xf32> to vector<1x16xf32>
      tpu.vector_store %arg5[%swap3A_791, %swap3A_792], %swap3A_795 {strides = array<i32>} : memref<128x512xf32, #tpu.memory_space<vmem>>, vector<1x16xf32>,
      %swap3A_796 = arith.constant 101 : i32
      %swap3A_797 = arith.index_cast %swap3A_796 : i32 to index
      %swap3A_798 = arith.index_cast %add3A_192 : i32 to index
      %swap3A_799 = tpu.vector_load %arg5[%swap3A_797, %swap3A_798] {strides = array<i32>} : memref<128x512xf32, #tpu.memory_space<vmem>>, vector<1x16xf32>,
      %swap3A_800 = vector.shape_cast %swap3A_799 : vector<1x16xf32> to vector<16xf32>
      %swap3A_801 = vector.shape_cast %get3A_196 : vector<16xf32> to vector<1x16xf32>
      tpu.vector_store %arg5[%swap3A_797, %swap3A_798], %swap3A_801 {strides = array<i32>} : memref<128x512xf32, #tpu.memory_space<vmem>>, vector<1x16xf32>,
      %swap3A_802 = arith.constant 102 : i32
      %swap3A_803 = arith.index_cast %swap3A_802 : i32 to index
      %swap3A_804 = arith.index_cast %add3A_192 : i32 to index
      %swap3A_805 = tpu.vector_load %arg5[%swap3A_803, %swap3A_804] {strides = array<i32>} : memref<128x512xf32, #tpu.memory_space<vmem>>, vector<1x16xf32>,
      %swap3A_806 = vector.shape_cast %swap3A_805 : vector<1x16xf32> to vector<16xf32>
      %swap3A_807 = vector.shape_cast %get3A_196 : vector<16xf32> to vector<1x16xf32>
      tpu.vector_store %arg5[%swap3A_803, %swap3A_804], %swap3A_807 {strides = array<i32>} : memref<128x512xf32, #tpu.memory_space<vmem>>, vector<1x16xf32>,
      %swap3A_808 = arith.constant 103 : i32
      %swap3A_809 = arith.index_cast %swap3A_808 : i32 to index
      %swap3A_810 = arith.index_cast %add3A_192 : i32 to index
      %swap3A_811 = tpu.vector_load %arg5[%swap3A_809, %swap3A_810] {strides = array<i32>} : memref<128x512xf32, #tpu.memory_space<vmem>>, vector<1x16xf32>,
      %swap3A_812 = vector.shape_cast %swap3A_811 : vector<1x16xf32> to vector<16xf32>
      %swap3A_813 = vector.shape_cast %get3A_196 : vector<16xf32> to vector<1x16xf32>
      tpu.vector_store %arg5[%swap3A_809, %swap3A_810], %swap3A_813 {strides = array<i32>} : memref<128x512xf32, #tpu.memory_space<vmem>>, vector<1x16xf32>,
      %swap3A_814 = arith.constant 104 : i32
      %swap3A_815 = arith.index_cast %swap3A_814 : i32 to index
      %swap3A_816 = arith.index_cast %add3A_192 : i32 to index
      %swap3A_817 = tpu.vector_load %arg5[%swap3A_815, %swap3A_816] {strides = array<i32>} : memref<128x512xf32, #tpu.memory_space<vmem>>, vector<1x16xf32>,
      %swap3A_818 = vector.shape_cast %swap3A_817 : vector<1x16xf32> to vector<16xf32>
      %swap3A_819 = vector.shape_cast %get3A_196 : vector<16xf32> to vector<1x16xf32>
      tpu.vector_store %arg5[%swap3A_815, %swap3A_816], %swap3A_819 {strides = array<i32>} : memref<128x512xf32, #tpu.memory_space<vmem>>, vector<1x16xf32>,
      %swap3A_820 = arith.constant 105 : i32
      %swap3A_821 = arith.index_cast %swap3A_820 : i32 to index
      %swap3A_822 = arith.index_cast %add3A_192 : i32 to index
      %swap3A_823 = tpu.vector_load %arg5[%swap3A_821, %swap3A_822] {strides = array<i32>} : memref<128x512xf32, #tpu.memory_space<vmem>>, vector<1x16xf32>,
      %swap3A_824 = vector.shape_cast %swap3A_823 : vector<1x16xf32> to vector<16xf32>
      %swap3A_825 = vector.shape_cast %get3A_196 : vector<16xf32> to vector<1x16xf32>
      tpu.vector_store %arg5[%swap3A_821, %swap3A_822], %swap3A_825 {strides = array<i32>} : memref<128x512xf32, #tpu.memory_space<vmem>>, vector<1x16xf32>,
      %swap3A_826 = arith.constant 106 : i32
      %swap3A_827 = arith.index_cast %swap3A_826 : i32 to index
      %swap3A_828 = arith.index_cast %add3A_192 : i32 to index
      %swap3A_829 = tpu.vector_load %arg5[%swap3A_827, %swap3A_828] {strides = array<i32>} : memref<128x512xf32, #tpu.memory_space<vmem>>, vector<1x16xf32>,
      %swap3A_830 = vector.shape_cast %swap3A_829 : vector<1x16xf32> to vector<16xf32>
      %swap3A_831 = vector.shape_cast %get3A_196 : vector<16xf32> to vector<1x16xf32>
      tpu.vector_store %arg5[%swap3A_827, %swap3A_828], %swap3A_831 {strides = array<i32>} : memref<128x512xf32, #tpu.memory_space<vmem>>, vector<1x16xf32>,
      %swap3A_832 = arith.constant 107 : i32
      %swap3A_833 = arith.index_cast %swap3A_832 : i32 to index
      %swap3A_834 = arith.index_cast %add3A_192 : i32 to index
      %swap3A_835 = tpu.vector_load %arg5[%swap3A_833, %swap3A_834] {strides = array<i32>} : memref<128x512xf32, #tpu.memory_space<vmem>>, vector<1x16xf32>,
      %swap3A_836 = vector.shape_cast %swap3A_835 : vector<1x16xf32> to vector<16xf32>
      %swap3A_837 = vector.shape_cast %get3A_196 : vector<16xf32> to vector<1x16xf32>
      tpu.vector_store %arg5[%swap3A_833, %swap3A_834], %swap3A_837 {strides = array<i32>} : memref<128x512xf32, #tpu.memory_space<vmem>>, vector<1x16xf32>,
      %swap3A_838 = arith.constant 108 : i32
      %swap3A_839 = arith.index_cast %swap3A_838 : i32 to index
      %swap3A_840 = arith.index_cast %add3A_192 : i32 to index
      %swap3A_841 = tpu.vector_load %arg5[%swap3A_839, %swap3A_840] {strides = array<i32>} : memref<128x512xf32, #tpu.memory_space<vmem>>, vector<1x16xf32>,
      %swap3A_842 = vector.shape_cast %swap3A_841 : vector<1x16xf32> to vector<16xf32>
      %swap3A_843 = vector.shape_cast %get3A_196 : vector<16xf32> to vector<1x16xf32>
      tpu.vector_store %arg5[%swap3A_839, %swap3A_840], %swap3A_843 {strides = array<i32>} : memref<128x512xf32, #tpu.memory_space<vmem>>, vector<1x16xf32>,
      %swap3A_844 = arith.constant 109 : i32
      %swap3A_845 = arith.index_cast %swap3A_844 : i32 to index
      %swap3A_846 = arith.index_cast %add3A_192 : i32 to index
      %swap3A_847 = tpu.vector_load %arg5[%swap3A_845, %swap3A_846] {strides = array<i32>} : memref<128x512xf32, #tpu.memory_space<vmem>>, vector<1x16xf32>,
      %swap3A_848 = vector.shape_cast %swap3A_847 : vector<1x16xf32> to vector<16xf32>
      %swap3A_849 = vector.shape_cast %get3A_196 : vector<16xf32> to vector<1x16xf32>
      tpu.vector_store %arg5[%swap3A_845, %swap3A_846], %swap3A_849 {strides = array<i32>} : memref<128x512xf32, #tpu.memory_space<vmem>>, vector<1x16xf32>,
      %swap3A_850 = arith.constant 110 : i32
      %swap3A_851 = arith.index_cast %swap3A_850 : i32 to index
      %swap3A_852 = arith.index_cast %add3A_192 : i32 to index
      %swap3A_853 = tpu.vector_load %arg5[%swap3A_851, %swap3A_852] {strides = array<i32>} : memref<128x512xf32, #tpu.memory_space<vmem>>, vector<1x16xf32>,
      %swap3A_854 = vector.shape_cast %swap3A_853 : vector<1x16xf32> to vector<16xf32>
      %swap3A_855 = vector.shape_cast %get3A_196 : vector<16xf32> to vector<1x16xf32>
      tpu.vector_store %arg5[%swap3A_851, %swap3A_852], %swap3A_855 {strides = array<i32>} : memref<128x512xf32, #tpu.memory_space<vmem>>, vector<1x16xf32>,
      %swap3A_856 = arith.constant 111 : i32
      %swap3A_857 = arith.index_cast %swap3A_856 : i32 to index
      %swap3A_858 = arith.index_cast %add3A_192 : i32 to index
      %swap3A_859 = tpu.vector_load %arg5[%swap3A_857, %swap3A_858] {strides = array<i32>} : memref<128x512xf32, #tpu.memory_space<vmem>>, vector<1x16xf32>,
      %swap3A_860 = vector.shape_cast %swap3A_859 : vector<1x16xf32> to vector<16xf32>
      %swap3A_861 = vector.shape_cast %get3A_196 : vector<16xf32> to vector<1x16xf32>
      tpu.vector_store %arg5[%swap3A_857, %swap3A_858], %swap3A_861 {strides = array<i32>} : memref<128x512xf32, #tpu.memory_space<vmem>>, vector<1x16xf32>,
      %swap3A_862 = arith.constant 112 : i32
      %swap3A_863 = arith.index_cast %swap3A_862 : i32 to index
      %swap3A_864 = arith.index_cast %add3A_192 : i32 to index
      %swap3A_865 = tpu.vector_load %arg5[%swap3A_863, %swap3A_864] {strides = array<i32>} : memref<128x512xf32, #tpu.memory_space<vmem>>, vector<1x16xf32>,
      %swap3A_866 = vector.shape_cast %swap3A_865 : vector<1x16xf32> to vector<16xf32>
      %swap3A_867 = vector.shape_cast %get3A_196 : vector<16xf32> to vector<1x16xf32>
      tpu.vector_store %arg5[%swap3A_863, %swap3A_864], %swap3A_867 {strides = array<i32>} : memref<128x512xf32, #tpu.memory_space<vmem>>, vector<1x16xf32>,
      %swap3A_868 = arith.constant 113 : i32
      %swap3A_869 = arith.index_cast %swap3A_868 : i32 to index
      %swap3A_870 = arith.index_cast %add3A_192 : i32 to index
      %swap3A_871 = tpu.vector_load %arg5[%swap3A_869, %swap3A_870] {strides = array<i32>} : memref<128x512xf32, #tpu.memory_space<vmem>>, vector<1x16xf32>,
      %swap3A_872 = vector.shape_cast %swap3A_871 : vector<1x16xf32> to vector<16xf32>
      %swap3A_873 = vector.shape_cast %get3A_196 : vector<16xf32> to vector<1x16xf32>
      tpu.vector_store %arg5[%swap3A_869, %swap3A_870], %swap3A_873 {strides = array<i32>} : memref<128x512xf32, #tpu.memory_space<vmem>>, vector<1x16xf32>,
      %swap3A_874 = arith.constant 114 : i32
      %swap3A_875 = arith.index_cast %swap3A_874 : i32 to index
      %swap3A_876 = arith.index_cast %add3A_192 : i32 to index
      %swap3A_877 = tpu.vector_load %arg5[%swap3A_875, %swap3A_876] {strides = array<i32>} : memref<128x512xf32, #tpu.memory_space<vmem>>, vector<1x16xf32>,
      %swap3A_878 = vector.shape_cast %swap3A_877 : vector<1x16xf32> to vector<16xf32>
      %swap3A_879 = vector.shape_cast %get3A_196 : vector<16xf32> to vector<1x16xf32>
      tpu.vector_store %arg5[%swap3A_875, %swap3A_876], %swap3A_879 {strides = array<i32>} : memref<128x512xf32, #tpu.memory_space<vmem>>, vector<1x16xf32>,
      %swap3A_880 = arith.constant 115 : i32
      %swap3A_881 = arith.index_cast %swap3A_880 : i32 to index
      %swap3A_882 = arith.index_cast %add3A_192 : i32 to index
      %swap3A_883 = tpu.vector_load %arg5[%swap3A_881, %swap3A_882] {strides = array<i32>} : memref<128x512xf32, #tpu.memory_space<vmem>>, vector<1x16xf32>,
      %swap3A_884 = vector.shape_cast %swap3A_883 : vector<1x16xf32> to vector<16xf32>
      %swap3A_885 = vector.shape_cast %get3A_196 : vector<16xf32> to vector<1x16xf32>
      tpu.vector_store %arg5[%swap3A_881, %swap3A_882], %swap3A_885 {strides = array<i32>} : memref<128x512xf32, #tpu.memory_space<vmem>>, vector<1x16xf32>,
      %swap3A_886 = arith.constant 116 : i32
      %swap3A_887 = arith.index_cast %swap3A_886 : i32 to index
      %swap3A_888 = arith.index_cast %add3A_192 : i32 to index
      %swap3A_889 = tpu.vector_load %arg5[%swap3A_887, %swap3A_888] {strides = array<i32>} : memref<128x512xf32, #tpu.memory_space<vmem>>, vector<1x16xf32>,
      %swap3A_890 = vector.shape_cast %swap3A_889 : vector<1x16xf32> to vector<16xf32>
      %swap3A_891 = vector.shape_cast %get3A_196 : vector<16xf32> to vector<1x16xf32>
      tpu.vector_store %arg5[%swap3A_887, %swap3A_888], %swap3A_891 {strides = array<i32>} : memref<128x512xf32, #tpu.memory_space<vmem>>, vector<1x16xf32>,
      %swap3A_892 = arith.constant 117 : i32
      %swap3A_893 = arith.index_cast %swap3A_892 : i32 to index
      %swap3A_894 = arith.index_cast %add3A_192 : i32 to index
      %swap3A_895 = tpu.vector_load %arg5[%swap3A_893, %swap3A_894] {strides = array<i32>} : memref<128x512xf32, #tpu.memory_space<vmem>>, vector<1x16xf32>,
      %swap3A_896 = vector.shape_cast %swap3A_895 : vector<1x16xf32> to vector<16xf32>
      %swap3A_897 = vector.shape_cast %get3A_196 : vector<16xf32> to vector<1x16xf32>
      tpu.vector_store %arg5[%swap3A_893, %swap3A_894], %swap3A_897 {strides = array<i32>} : memref<128x512xf32, #tpu.memory_space<vmem>>, vector<1x16xf32>,
      %swap3A_898 = arith.constant 118 : i32
      %swap3A_899 = arith.index_cast %swap3A_898 : i32 to index
      %swap3A_900 = arith.index_cast %add3A_192 : i32 to index
      %swap3A_901 = tpu.vector_load %arg5[%swap3A_899, %swap3A_900] {strides = array<i32>} : memref<128x512xf32, #tpu.memory_space<vmem>>, vector<1x16xf32>,
      %swap3A_902 = vector.shape_cast %swap3A_901 : vector<1x16xf32> to vector<16xf32>
      %swap3A_903 = vector.shape_cast %get3A_196 : vector<16xf32> to vector<1x16xf32>
      tpu.vector_store %arg5[%swap3A_899, %swap3A_900], %swap3A_903 {strides = array<i32>} : memref<128x512xf32, #tpu.memory_space<vmem>>, vector<1x16xf32>,
      %swap3A_904 = arith.constant 119 : i32
      %swap3A_905 = arith.index_cast %swap3A_904 : i32 to index
      %swap3A_906 = arith.index_cast %add3A_192 : i32 to index
      %swap3A_907 = tpu.vector_load %arg5[%swap3A_905, %swap3A_906] {strides = array<i32>} : memref<128x512xf32, #tpu.memory_space<vmem>>, vector<1x16xf32>,
      %swap3A_908 = vector.shape_cast %swap3A_907 : vector<1x16xf32> to vector<16xf32>
      %swap3A_909 = vector.shape_cast %get3A_196 : vector<16xf32> to vector<1x16xf32>
      tpu.vector_store %arg5[%swap3A_905, %swap3A_906], %swap3A_909 {strides = array<i32>} : memref<128x512xf32, #tpu.memory_space<vmem>>, vector<1x16xf32>,
      %swap3A_910 = arith.constant 120 : i32
      %swap3A_911 = arith.index_cast %swap3A_910 : i32 to index
      %swap3A_912 = arith.index_cast %add3A_192 : i32 to index
      %swap3A_913 = tpu.vector_load %arg5[%swap3A_911, %swap3A_912] {strides = array<i32>} : memref<128x512xf32, #tpu.memory_space<vmem>>, vector<1x16xf32>,
      %swap3A_914 = vector.shape_cast %swap3A_913 : vector<1x16xf32> to vector<16xf32>
      %swap3A_915 = vector.shape_cast %get3A_196 : vector<16xf32> to vector<1x16xf32>
      tpu.vector_store %arg5[%swap3A_911, %swap3A_912], %swap3A_915 {strides = array<i32>} : memref<128x512xf32, #tpu.memory_space<vmem>>, vector<1x16xf32>,
      %swap3A_916 = arith.constant 121 : i32
      %swap3A_917 = arith.index_cast %swap3A_916 : i32 to index
      %swap3A_918 = arith.index_cast %add3A_192 : i32 to index
      %swap3A_919 = tpu.vector_load %arg5[%swap3A_917, %swap3A_918] {strides = array<i32>} : memref<128x512xf32, #tpu.memory_space<vmem>>, vector<1x16xf32>,
      %swap3A_920 = vector.shape_cast %swap3A_919 : vector<1x16xf32> to vector<16xf32>
      %swap3A_921 = vector.shape_cast %get3A_196 : vector<16xf32> to vector<1x16xf32>
      tpu.vector_store %arg5[%swap3A_917, %swap3A_918], %swap3A_921 {strides = array<i32>} : memref<128x512xf32, #tpu.memory_space<vmem>>, vector<1x16xf32>,
      %swap3A_922 = arith.constant 122 : i32
      %swap3A_923 = arith.index_cast %swap3A_922 : i32 to index
      %swap3A_924 = arith.index_cast %add3A_192 : i32 to index
      %swap3A_925 = tpu.vector_load %arg5[%swap3A_923, %swap3A_924] {strides = array<i32>} : memref<128x512xf32, #tpu.memory_space<vmem>>, vector<1x16xf32>,
      %swap3A_926 = vector.shape_cast %swap3A_925 : vector<1x16xf32> to vector<16xf32>
      %swap3A_927 = vector.shape_cast %get3A_196 : vector<16xf32> to vector<1x16xf32>
      tpu.vector_store %arg5[%swap3A_923, %swap3A_924], %swap3A_927 {strides = array<i32>} : memref<128x512xf32, #tpu.memory_space<vmem>>, vector<1x16xf32>,
      %swap3A_928 = arith.constant 123 : i32
      %swap3A_929 = arith.index_cast %swap3A_928 : i32 to index
      %swap3A_930 = arith.index_cast %add3A_192 : i32 to index
      %swap3A_931 = tpu.vector_load %arg5[%swap3A_929, %swap3A_930] {strides = array<i32>} : memref<128x512xf32, #tpu.memory_space<vmem>>, vector<1x16xf32>,
      %swap3A_932 = vector.shape_cast %swap3A_931 : vector<1x16xf32> to vector<16xf32>
      %swap3A_933 = vector.shape_cast %get3A_196 : vector<16xf32> to vector<1x16xf32>
      tpu.vector_store %arg5[%swap3A_929, %swap3A_930], %swap3A_933 {strides = array<i32>} : memref<128x512xf32, #tpu.memory_space<vmem>>, vector<1x16xf32>,
      %swap3A_934 = arith.constant 124 : i32
      %swap3A_935 = arith.index_cast %swap3A_934 : i32 to index
      %swap3A_936 = arith.index_cast %add3A_192 : i32 to index
      %swap3A_937 = tpu.vector_load %arg5[%swap3A_935, %swap3A_936] {strides = array<i32>} : memref<128x512xf32, #tpu.memory_space<vmem>>, vector<1x16xf32>,
      %swap3A_938 = vector.shape_cast %swap3A_937 : vector<1x16xf32> to vector<16xf32>
      %swap3A_939 = vector.shape_cast %get3A_196 : vector<16xf32> to vector<1x16xf32>
      tpu.vector_store %arg5[%swap3A_935, %swap3A_936], %swap3A_939 {strides = array<i32>} : memref<128x512xf32, #tpu.memory_space<vmem>>, vector<1x16xf32>,
      %swap3A_940 = arith.constant 125 : i32
      %swap3A_941 = arith.index_cast %swap3A_940 : i32 to index
      %swap3A_942 = arith.index_cast %add3A_192 : i32 to index
      %swap3A_943 = tpu.vector_load %arg5[%swap3A_941, %swap3A_942] {strides = array<i32>} : memref<128x512xf32, #tpu.memory_space<vmem>>, vector<1x16xf32>,
      %swap3A_944 = vector.shape_cast %swap3A_943 : vector<1x16xf32> to vector<16xf32>
      %swap3A_945 = vector.shape_cast %get3A_196 : vector<16xf32> to vector<1x16xf32>
      tpu.vector_store %arg5[%swap3A_941, %swap3A_942], %swap3A_945 {strides = array<i32>} : memref<128x512xf32, #tpu.memory_space<vmem>>, vector<1x16xf32>,
      %swap3A_946 = arith.constant 126 : i32
      %swap3A_947 = arith.index_cast %swap3A_946 : i32 to index
      %swap3A_948 = arith.index_cast %add3A_192 : i32 to index
      %swap3A_949 = tpu.vector_load %arg5[%swap3A_947, %swap3A_948] {strides = array<i32>} : memref<128x512xf32, #tpu.memory_space<vmem>>, vector<1x16xf32>,
      %swap3A_950 = vector.shape_cast %swap3A_949 : vector<1x16xf32> to vector<16xf32>
      %swap3A_951 = vector.shape_cast %get3A_196 : vector<16xf32> to vector<1x16xf32>
      tpu.vector_store %arg5[%swap3A_947, %swap3A_948], %swap3A_951 {strides = array<i32>} : memref<128x512xf32, #tpu.memory_space<vmem>>, vector<1x16xf32>,
      %swap3A_952 = arith.constant 127 : i32
      %swap3A_953 = arith.index_cast %swap3A_952 : i32 to index
      %swap3A_954 = arith.index_cast %add3A_192 : i32 to index
      %swap3A_955 = tpu.vector_load %arg5[%swap3A_953, %swap3A_954] {strides = array<i32>} : memref<128x512xf32, #tpu.memory_space<vmem>>, vector<1x16xf32>,
      %swap3A_956 = vector.shape_cast %swap3A_955 : vector<1x16xf32> to vector<16xf32>
      %swap3A_957 = vector.shape_cast %get3A_196 : vector<16xf32> to vector<1x16xf32>
      tpu.vector_store %arg5[%swap3A_953, %swap3A_954], %swap3A_957 {strides = array<i32>} : memref<128x512xf32, #tpu.memory_space<vmem>>, vector<1x16xf32>,
    }
    %scan3A_30 = arith.constant 32 : i32
    %scan3A_31 = arith.constant 0 : i32
    %scan3A_32 = arith.constant 32 : i32
    %scan3A_33 = arith.addi %scan3A_31, %scan3A_32 : i32
    %scan3A_34 = arith.constant 1 : i32
    scf.for %scan3A_188 = %scan3A_31 to %scan3A_33 step %scan3A_34  : i32 {
      %mul3A_189 = arith.constant 16 : i32
      %mul3A_190 = arith.muli %scan3A_188, %mul3A_189 : i32
      %add3A_191 = arith.constant 0 : i32
      %add3A_192 = arith.addi %add3A_191, %mul3A_190 : i32
      %swap3A = arith.index_cast %add3A_192 : i32 to index
      %swap3A_193 = tpu.vector_load %arg6[%swap3A] {strides = array<i32>} : memref<512xi32, #tpu.memory_space<vmem>>, vector<16xi32>,
      %swap3A_194 = vector.shape_cast %swap3A_193 : vector<16xi32> to vector<16xi32>
      %swap3A_195 = vector.shape_cast %broadcast_in_dim3A : vector<16xi32> to vector<16xi32>
      tpu.vector_store %arg6[%swap3A], %swap3A_195 {strides = array<i32>} : memref<512xi32, #tpu.memory_space<vmem>>, vector<16xi32>,
    }
    %scan3A_35 = arith.constant 32 : i32
    %add3A_36 = arith.constant 0 : i32
    %add3A_37 = arith.addi %div3A_2, %add3A_36 : i32
    %mul3A_38 = arith.constant 512 : i32
    %mul3A_39 = arith.muli %rem3A_1, %mul3A_38 : i32
    %add3A_40 = arith.constant 0 : i32
    %add3A_41 = arith.addi %mul3A_39, %add3A_40 : i32
    %dma_start3A_42 = arith.constant 0 : i32
    %dma_start3A_43 = tpu.memref_slice %arg3[%add3A_37, %add3A_41, %dma_start3A_42] : memref<8x4096x512xf32, #tpu.memory_space<hbm>> -> memref<1x128x512xf32, #tpu.memory_space<hbm>>
    %dma_start3A_44 = tpu.memref_squeeze %dma_start3A_43 : memref<1x128x512xf32, #tpu.memory_space<hbm>> -> memref<128x512xf32, #tpu.memory_space<hbm>>
    %dma_start3A_45 = arith.constant 0 : i32
    %dma_start3A_46 = tpu.memref_slice %arg3[%add3A_37, %add3A_41, %dma_start3A_45] : memref<8x4096x512xf32, #tpu.memory_space<hbm>> -> memref<1x128x512xf32, #tpu.memory_space<hbm>>
    %dma_start3A_47 = tpu.memref_squeeze %dma_start3A_46 : memref<1x128x512xf32, #tpu.memory_space<hbm>> -> memref<128x512xf32, #tpu.memory_space<hbm>>
    tpu.enqueue_dma source(%arg5 : memref<128x512xf32, #tpu.memory_space<vmem>>) target(%dma_start3A_47 : memref<128x512xf32, #tpu.memory_space<hbm>>) target_semaphore(%arg7 : memref<!tpu.dma_semaphore, #tpu.memory_space<semaphore_mem>>)
    %mul3A_48 = arith.constant 512 : i32
    %mul3A_49 = arith.muli %rem3A_1, %mul3A_48 : i32
    %add3A_50 = arith.constant 128 : i32
    %add3A_51 = arith.addi %mul3A_49, %add3A_50 : i32
    %dma_start3A_52 = arith.constant 0 : i32
    %dma_start3A_53 = tpu.memref_slice %arg3[%add3A_37, %add3A_51, %dma_start3A_52] : memref<8x4096x512xf32, #tpu.memory_space<hbm>> -> memref<1x128x512xf32, #tpu.memory_space<hbm>>
    %dma_start3A_54 = tpu.memref_squeeze %dma_start3A_53 : memref<1x128x512xf32, #tpu.memory_space<hbm>> -> memref<128x512xf32, #tpu.memory_space<hbm>>
    %dma_start3A_55 = arith.constant 0 : i32
    %dma_start3A_56 = tpu.memref_slice %arg3[%add3A_37, %add3A_51, %dma_start3A_55] : memref<8x4096x512xf32, #tpu.memory_space<hbm>> -> memref<1x128x512xf32, #tpu.memory_space<hbm>>
    %dma_start3A_57 = tpu.memref_squeeze %dma_start3A_56 : memref<1x128x512xf32, #tpu.memory_space<hbm>> -> memref<128x512xf32, #tpu.memory_space<hbm>>
    tpu.enqueue_dma source(%arg5 : memref<128x512xf32, #tpu.memory_space<vmem>>) target(%dma_start3A_57 : memref<128x512xf32, #tpu.memory_space<hbm>>) target_semaphore(%arg7 : memref<!tpu.dma_semaphore, #tpu.memory_space<semaphore_mem>>)
    %mul3A_58 = arith.constant 512 : i32
    %mul3A_59 = arith.muli %rem3A_1, %mul3A_58 : i32
    %add3A_60 = arith.constant 256 : i32
    %add3A_61 = arith.addi %mul3A_59, %add3A_60 : i32
    %dma_start3A_62 = arith.constant 0 : i32
    %dma_start3A_63 = tpu.memref_slice %arg3[%add3A_37, %add3A_61, %dma_start3A_62] : memref<8x4096x512xf32, #tpu.memory_space<hbm>> -> memref<1x128x512xf32, #tpu.memory_space<hbm>>
    %dma_start3A_64 = tpu.memref_squeeze %dma_start3A_63 : memref<1x128x512xf32, #tpu.memory_space<hbm>> -> memref<128x512xf32, #tpu.memory_space<hbm>>
    %dma_start3A_65 = arith.constant 0 : i32
    %dma_start3A_66 = tpu.memref_slice %arg3[%add3A_37, %add3A_61, %dma_start3A_65] : memref<8x4096x512xf32, #tpu.memory_space<hbm>> -> memref<1x128x512xf32, #tpu.memory_space<hbm>>
    %dma_start3A_67 = tpu.memref_squeeze %dma_start3A_66 : memref<1x128x512xf32, #tpu.memory_space<hbm>> -> memref<128x512xf32, #tpu.memory_space<hbm>>
    tpu.enqueue_dma source(%arg5 : memref<128x512xf32, #tpu.memory_space<vmem>>) target(%dma_start3A_67 : memref<128x512xf32, #tpu.memory_space<hbm>>) target_semaphore(%arg7 : memref<!tpu.dma_semaphore, #tpu.memory_space<semaphore_mem>>)
    %mul3A_68 = arith.constant 512 : i32
    %mul3A_69 = arith.muli %rem3A_1, %mul3A_68 : i32
    %add3A_70 = arith.constant 384 : i32
    %add3A_71 = arith.addi %mul3A_69, %add3A_70 : i32
    %dma_start3A_72 = arith.constant 0 : i32
    %dma_start3A_73 = tpu.memref_slice %arg3[%add3A_37, %add3A_71, %dma_start3A_72] : memref<8x4096x512xf32, #tpu.memory_space<hbm>> -> memref<1x128x512xf32, #tpu.memory_space<hbm>>
    %dma_start3A_74 = tpu.memref_squeeze %dma_start3A_73 : memref<1x128x512xf32, #tpu.memory_space<hbm>> -> memref<128x512xf32, #tpu.memory_space<hbm>>
    %dma_start3A_75 = arith.constant 0 : i32
    %dma_start3A_76 = tpu.memref_slice %arg3[%add3A_37, %add3A_71, %dma_start3A_75] : memref<8x4096x512xf32, #tpu.memory_space<hbm>> -> memref<1x128x512xf32, #tpu.memory_space<hbm>>
    %dma_start3A_77 = tpu.memref_squeeze %dma_start3A_76 : memref<1x128x512xf32, #tpu.memory_space<hbm>> -> memref<128x512xf32, #tpu.memory_space<hbm>>
    tpu.enqueue_dma source(%arg5 : memref<128x512xf32, #tpu.memory_space<vmem>>) target(%dma_start3A_77 : memref<128x512xf32, #tpu.memory_space<hbm>>) target_semaphore(%arg7 : memref<!tpu.dma_semaphore, #tpu.memory_space<semaphore_mem>>)
    %mul3A_78 = arith.constant 512 : i32
    %mul3A_79 = arith.muli %rem3A_1, %mul3A_78 : i32
    %dma_start3A_80 = tpu.memref_slice %arg4[%add3A_37, %mul3A_79] : memref<8x4096xi32, #tpu.memory_space<hbm>> -> memref<1x512xi32, #tpu.memory_space<hbm>>
    %dma_start3A_81 = tpu.memref_squeeze %dma_start3A_80 : memref<1x512xi32, #tpu.memory_space<hbm>> -> memref<512xi32, #tpu.memory_space<hbm>>
    %dma_start3A_82 = tpu.memref_slice %arg4[%add3A_37, %mul3A_79] : memref<8x4096xi32, #tpu.memory_space<hbm>> -> memref<1x512xi32, #tpu.memory_space<hbm>>
    %dma_start3A_83 = tpu.memref_squeeze %dma_start3A_82 : memref<1x512xi32, #tpu.memory_space<hbm>> -> memref<512xi32, #tpu.memory_space<hbm>>
    tpu.enqueue_dma source(%arg6 : memref<512xi32, #tpu.memory_space<vmem>>) target(%dma_start3A_83 : memref<512xi32, #tpu.memory_space<hbm>>) target_semaphore(%arg7 : memref<!tpu.dma_semaphore, #tpu.memory_space<semaphore_mem>>)
    %add3A_84 = arith.constant 4 : i32
    %add3A_85 = arith.addi %div3A_2, %add3A_84 : i32
    %mul3A_86 = arith.constant 512 : i32
    %mul3A_87 = arith.muli %rem3A_1, %mul3A_86 : i32
    %add3A_88 = arith.constant 0 : i32
    %add3A_89 = arith.addi %mul3A_87, %add3A_88 : i32
    %dma_start3A_90 = arith.constant 0 : i32
    %dma_start3A_91 = tpu.memref_slice %arg3[%add3A_85, %add3A_89, %dma_start3A_90] : memref<8x4096x512xf32, #tpu.memory_space<hbm>> -> memref<1x128x512xf32, #tpu.memory_space<hbm>>
    %dma_start3A_92 = tpu.memref_squeeze %dma_start3A_91 : memref<1x128x512xf32, #tpu.memory_space<hbm>> -> memref<128x512xf32, #tpu.memory_space<hbm>>
    %dma_start3A_93 = arith.constant 0 : i32
    %dma_start3A_94 = tpu.memref_slice %arg3[%add3A_85, %add3A_89, %dma_start3A_93] : memref<8x4096x512xf32, #tpu.memory_space<hbm>> -> memref<1x128x512xf32, #tpu.memory_space<hbm>>
    %dma_start3A_95 = tpu.memref_squeeze %dma_start3A_94 : memref<1x128x512xf32, #tpu.memory_space<hbm>> -> memref<128x512xf32, #tpu.memory_space<hbm>>
    tpu.enqueue_dma source(%arg5 : memref<128x512xf32, #tpu.memory_space<vmem>>) target(%dma_start3A_95 : memref<128x512xf32, #tpu.memory_space<hbm>>) target_semaphore(%arg7 : memref<!tpu.dma_semaphore, #tpu.memory_space<semaphore_mem>>)
    %mul3A_96 = arith.constant 512 : i32
    %mul3A_97 = arith.muli %rem3A_1, %mul3A_96 : i32
    %add3A_98 = arith.constant 128 : i32
    %add3A_99 = arith.addi %mul3A_97, %add3A_98 : i32
    %dma_start3A_100 = arith.constant 0 : i32
    %dma_start3A_101 = tpu.memref_slice %arg3[%add3A_85, %add3A_99, %dma_start3A_100] : memref<8x4096x512xf32, #tpu.memory_space<hbm>> -> memref<1x128x512xf32, #tpu.memory_space<hbm>>
    %dma_start3A_102 = tpu.memref_squeeze %dma_start3A_101 : memref<1x128x512xf32, #tpu.memory_space<hbm>> -> memref<128x512xf32, #tpu.memory_space<hbm>>
    %dma_start3A_103 = arith.constant 0 : i32
    %dma_start3A_104 = tpu.memref_slice %arg3[%add3A_85, %add3A_99, %dma_start3A_103] : memref<8x4096x512xf32, #tpu.memory_space<hbm>> -> memref<1x128x512xf32, #tpu.memory_space<hbm>>
    %dma_start3A_105 = tpu.memref_squeeze %dma_start3A_104 : memref<1x128x512xf32, #tpu.memory_space<hbm>> -> memref<128x512xf32, #tpu.memory_space<hbm>>
    tpu.enqueue_dma source(%arg5 : memref<128x512xf32, #tpu.memory_space<vmem>>) target(%dma_start3A_105 : memref<128x512xf32, #tpu.memory_space<hbm>>) target_semaphore(%arg7 : memref<!tpu.dma_semaphore, #tpu.memory_space<semaphore_mem>>)
    %mul3A_106 = arith.constant 512 : i32
    %mul3A_107 = arith.muli %rem3A_1, %mul3A_106 : i32
    %add3A_108 = arith.constant 256 : i32
    %add3A_109 = arith.addi %mul3A_107, %add3A_108 : i32
    %dma_start3A_110 = arith.constant 0 : i32
    %dma_start3A_111 = tpu.memref_slice %arg3[%add3A_85, %add3A_109, %dma_start3A_110] : memref<8x4096x512xf32, #tpu.memory_space<hbm>> -> memref<1x128x512xf32, #tpu.memory_space<hbm>>
    %dma_start3A_112 = tpu.memref_squeeze %dma_start3A_111 : memref<1x128x512xf32, #tpu.memory_space<hbm>> -> memref<128x512xf32, #tpu.memory_space<hbm>>
    %dma_start3A_113 = arith.constant 0 : i32
    %dma_start3A_114 = tpu.memref_slice %arg3[%add3A_85, %add3A_109, %dma_start3A_113] : memref<8x4096x512xf32, #tpu.memory_space<hbm>> -> memref<1x128x512xf32, #tpu.memory_space<hbm>>
    %dma_start3A_115 = tpu.memref_squeeze %dma_start3A_114 : memref<1x128x512xf32, #tpu.memory_space<hbm>> -> memref<128x512xf32, #tpu.memory_space<hbm>>
    tpu.enqueue_dma source(%arg5 : memref<128x512xf32, #tpu.memory_space<vmem>>) target(%dma_start3A_115 : memref<128x512xf32, #tpu.memory_space<hbm>>) target_semaphore(%arg7 : memref<!tpu.dma_semaphore, #tpu.memory_space<semaphore_mem>>)
    %mul3A_116 = arith.constant 512 : i32
    %mul3A_117 = arith.muli %rem3A_1, %mul3A_116 : i32
    %add3A_118 = arith.constant 384 : i32
    %add3A_119 = arith.addi %mul3A_117, %add3A_118 : i32
    %dma_start3A_120 = arith.constant 0 : i32
    %dma_start3A_121 = tpu.memref_slice %arg3[%add3A_85, %add3A_119, %dma_start3A_120] : memref<8x4096x512xf32, #tpu.memory_space<hbm>> -> memref<1x128x512xf32, #tpu.memory_space<hbm>>
    %dma_start3A_122 = tpu.memref_squeeze %dma_start3A_121 : memref<1x128x512xf32, #tpu.memory_space<hbm>> -> memref<128x512xf32, #tpu.memory_space<hbm>>
    %dma_start3A_123 = arith.constant 0 : i32
    %dma_start3A_124 = tpu.memref_slice %arg3[%add3A_85, %add3A_119, %dma_start3A_123] : memref<8x4096x512xf32, #tpu.memory_space<hbm>> -> memref<1x128x512xf32, #tpu.memory_space<hbm>>
    %dma_start3A_125 = tpu.memref_squeeze %dma_start3A_124 : memref<1x128x512xf32, #tpu.memory_space<hbm>> -> memref<128x512xf32, #tpu.memory_space<hbm>>
    tpu.enqueue_dma source(%arg5 : memref<128x512xf32, #tpu.memory_space<vmem>>) target(%dma_start3A_125 : memref<128x512xf32, #tpu.memory_space<hbm>>) target_semaphore(%arg7 : memref<!tpu.dma_semaphore, #tpu.memory_space<semaphore_mem>>)
    %mul3A_126 = arith.constant 512 : i32
    %mul3A_127 = arith.muli %rem3A_1, %mul3A_126 : i32
    %dma_start3A_128 = tpu.memref_slice %arg4[%add3A_85, %mul3A_127] : memref<8x4096xi32, #tpu.memory_space<hbm>> -> memref<1x512xi32, #tpu.memory_space<hbm>>
    %dma_start3A_129 = tpu.memref_squeeze %dma_start3A_128 : memref<1x512xi32, #tpu.memory_space<hbm>> -> memref<512xi32, #tpu.memory_space<hbm>>
    %dma_start3A_130 = tpu.memref_slice %arg4[%add3A_85, %mul3A_127] : memref<8x4096xi32, #tpu.memory_space<hbm>> -> memref<1x512xi32, #tpu.memory_space<hbm>>
    %dma_start3A_131 = tpu.memref_squeeze %dma_start3A_130 : memref<1x512xi32, #tpu.memory_space<hbm>> -> memref<512xi32, #tpu.memory_space<hbm>>
    tpu.enqueue_dma source(%arg6 : memref<512xi32, #tpu.memory_space<vmem>>) target(%dma_start3A_131 : memref<512xi32, #tpu.memory_space<hbm>>) target_semaphore(%arg7 : memref<!tpu.dma_semaphore, #tpu.memory_space<semaphore_mem>>)
    %dma_wait3A_132 = arith.constant 0 : i32
    %dma_wait3A_133 = tpu.memref_slice %arg3[%add3A_37, %add3A_41, %dma_wait3A_132] : memref<8x4096x512xf32, #tpu.memory_space<hbm>> -> memref<1x128x512xf32, #tpu.memory_space<hbm>>
    %dma_wait3A_134 = tpu.memref_squeeze %dma_wait3A_133 : memref<1x128x512xf32, #tpu.memory_space<hbm>> -> memref<128x512xf32, #tpu.memory_space<hbm>>
    %dma_wait3A_135 = arith.constant 0 : i32
    %dma_wait3A_136 = tpu.memref_slice %arg3[%add3A_37, %add3A_41, %dma_wait3A_135] : memref<8x4096x512xf32, #tpu.memory_space<hbm>> -> memref<1x128x512xf32, #tpu.memory_space<hbm>>
    %dma_wait3A_137 = tpu.memref_squeeze %dma_wait3A_136 : memref<1x128x512xf32, #tpu.memory_space<hbm>> -> memref<128x512xf32, #tpu.memory_space<hbm>>
    tpu.wait_dma2 semaphore(%arg7 : memref<!tpu.dma_semaphore, #tpu.memory_space<semaphore_mem>>) src(%arg5 : memref<128x512xf32, #tpu.memory_space<vmem>>) dst(%dma_wait3A_137 : memref<128x512xf32, #tpu.memory_space<hbm>>)
    %dma_wait3A_138 = arith.constant 0 : i32
    %dma_wait3A_139 = tpu.memref_slice %arg3[%add3A_37, %add3A_51, %dma_wait3A_138] : memref<8x4096x512xf32, #tpu.memory_space<hbm>> -> memref<1x128x512xf32, #tpu.memory_space<hbm>>
    %dma_wait3A_140 = tpu.memref_squeeze %dma_wait3A_139 : memref<1x128x512xf32, #tpu.memory_space<hbm>> -> memref<128x512xf32, #tpu.memory_space<hbm>>
    %dma_wait3A_141 = arith.constant 0 : i32
    %dma_wait3A_142 = tpu.memref_slice %arg3[%add3A_37, %add3A_51, %dma_wait3A_141] : memref<8x4096x512xf32, #tpu.memory_space<hbm>> -> memref<1x128x512xf32, #tpu.memory_space<hbm>>
    %dma_wait3A_143 = tpu.memref_squeeze %dma_wait3A_142 : memref<1x128x512xf32, #tpu.memory_space<hbm>> -> memref<128x512xf32, #tpu.memory_space<hbm>>
    tpu.wait_dma2 semaphore(%arg7 : memref<!tpu.dma_semaphore, #tpu.memory_space<semaphore_mem>>) src(%arg5 : memref<128x512xf32, #tpu.memory_space<vmem>>) dst(%dma_wait3A_143 : memref<128x512xf32, #tpu.memory_space<hbm>>)
    %dma_wait3A_144 = arith.constant 0 : i32
    %dma_wait3A_145 = tpu.memref_slice %arg3[%add3A_37, %add3A_61, %dma_wait3A_144] : memref<8x4096x512xf32, #tpu.memory_space<hbm>> -> memref<1x128x512xf32, #tpu.memory_space<hbm>>
    %dma_wait3A_146 = tpu.memref_squeeze %dma_wait3A_145 : memref<1x128x512xf32, #tpu.memory_space<hbm>> -> memref<128x512xf32, #tpu.memory_space<hbm>>
    %dma_wait3A_147 = arith.constant 0 : i32
    %dma_wait3A_148 = tpu.memref_slice %arg3[%add3A_37, %add3A_61, %dma_wait3A_147] : memref<8x4096x512xf32, #tpu.memory_space<hbm>> -> memref<1x128x512xf32, #tpu.memory_space<hbm>>
    %dma_wait3A_149 = tpu.memref_squeeze %dma_wait3A_148 : memref<1x128x512xf32, #tpu.memory_space<hbm>> -> memref<128x512xf32, #tpu.memory_space<hbm>>
    tpu.wait_dma2 semaphore(%arg7 : memref<!tpu.dma_semaphore, #tpu.memory_space<semaphore_mem>>) src(%arg5 : memref<128x512xf32, #tpu.memory_space<vmem>>) dst(%dma_wait3A_149 : memref<128x512xf32, #tpu.memory_space<hbm>>)
    %dma_wait3A_150 = arith.constant 0 : i32
    %dma_wait3A_151 = tpu.memref_slice %arg3[%add3A_37, %add3A_71, %dma_wait3A_150] : memref<8x4096x512xf32, #tpu.memory_space<hbm>> -> memref<1x128x512xf32, #tpu.memory_space<hbm>>
    %dma_wait3A_152 = tpu.memref_squeeze %dma_wait3A_151 : memref<1x128x512xf32, #tpu.memory_space<hbm>> -> memref<128x512xf32, #tpu.memory_space<hbm>>
    %dma_wait3A_153 = arith.constant 0 : i32
    %dma_wait3A_154 = tpu.memref_slice %arg3[%add3A_37, %add3A_71, %dma_wait3A_153] : memref<8x4096x512xf32, #tpu.memory_space<hbm>> -> memref<1x128x512xf32, #tpu.memory_space<hbm>>
    %dma_wait3A_155 = tpu.memref_squeeze %dma_wait3A_154 : memref<1x128x512xf32, #tpu.memory_space<hbm>> -> memref<128x512xf32, #tpu.memory_space<hbm>>
    tpu.wait_dma2 semaphore(%arg7 : memref<!tpu.dma_semaphore, #tpu.memory_space<semaphore_mem>>) src(%arg5 : memref<128x512xf32, #tpu.memory_space<vmem>>) dst(%dma_wait3A_155 : memref<128x512xf32, #tpu.memory_space<hbm>>)
    %dma_wait3A_156 = tpu.memref_slice %arg4[%add3A_37, %mul3A_79] : memref<8x4096xi32, #tpu.memory_space<hbm>> -> memref<1x512xi32, #tpu.memory_space<hbm>>
    %dma_wait3A_157 = tpu.memref_squeeze %dma_wait3A_156 : memref<1x512xi32, #tpu.memory_space<hbm>> -> memref<512xi32, #tpu.memory_space<hbm>>
    %dma_wait3A_158 = tpu.memref_slice %arg4[%add3A_37, %mul3A_79] : memref<8x4096xi32, #tpu.memory_space<hbm>> -> memref<1x512xi32, #tpu.memory_space<hbm>>
    %dma_wait3A_159 = tpu.memref_squeeze %dma_wait3A_158 : memref<1x512xi32, #tpu.memory_space<hbm>> -> memref<512xi32, #tpu.memory_space<hbm>>
    tpu.wait_dma2 semaphore(%arg7 : memref<!tpu.dma_semaphore, #tpu.memory_space<semaphore_mem>>) src(%arg6 : memref<512xi32, #tpu.memory_space<vmem>>) dst(%dma_wait3A_159 : memref<512xi32, #tpu.memory_space<hbm>>)
    %dma_wait3A_160 = arith.constant 0 : i32
    %dma_wait3A_161 = tpu.memref_slice %arg3[%add3A_85, %add3A_89, %dma_wait3A_160] : memref<8x4096x512xf32, #tpu.memory_space<hbm>> -> memref<1x128x512xf32, #tpu.memory_space<hbm>>
    %dma_wait3A_162 = tpu.memref_squeeze %dma_wait3A_161 : memref<1x128x512xf32, #tpu.memory_space<hbm>> -> memref<128x512xf32, #tpu.memory_space<hbm>>
    %dma_wait3A_163 = arith.constant 0 : i32
    %dma_wait3A_164 = tpu.memref_slice %arg3[%add3A_85, %add3A_89, %dma_wait3A_163] : memref<8x4096x512xf32, #tpu.memory_space<hbm>> -> memref<1x128x512xf32, #tpu.memory_space<hbm>>
    %dma_wait3A_165 = tpu.memref_squeeze %dma_wait3A_164 : memref<1x128x512xf32, #tpu.memory_space<hbm>> -> memref<128x512xf32, #tpu.memory_space<hbm>>
    tpu.wait_dma2 semaphore(%arg7 : memref<!tpu.dma_semaphore, #tpu.memory_space<semaphore_mem>>) src(%arg5 : memref<128x512xf32, #tpu.memory_space<vmem>>) dst(%dma_wait3A_165 : memref<128x512xf32, #tpu.memory_space<hbm>>)
    %dma_wait3A_166 = arith.constant 0 : i32
    %dma_wait3A_167 = tpu.memref_slice %arg3[%add3A_85, %add3A_99, %dma_wait3A_166] : memref<8x4096x512xf32, #tpu.memory_space<hbm>> -> memref<1x128x512xf32, #tpu.memory_space<hbm>>
    %dma_wait3A_168 = tpu.memref_squeeze %dma_wait3A_167 : memref<1x128x512xf32, #tpu.memory_space<hbm>> -> memref<128x512xf32, #tpu.memory_space<hbm>>
    %dma_wait3A_169 = arith.constant 0 : i32
    %dma_wait3A_170 = tpu.memref_slice %arg3[%add3A_85, %add3A_99, %dma_wait3A_169] : memref<8x4096x512xf32, #tpu.memory_space<hbm>> -> memref<1x128x512xf32, #tpu.memory_space<hbm>>
    %dma_wait3A_171 = tpu.memref_squeeze %dma_wait3A_170 : memref<1x128x512xf32, #tpu.memory_space<hbm>> -> memref<128x512xf32, #tpu.memory_space<hbm>>
    tpu.wait_dma2 semaphore(%arg7 : memref<!tpu.dma_semaphore, #tpu.memory_space<semaphore_mem>>) src(%arg5 : memref<128x512xf32, #tpu.memory_space<vmem>>) dst(%dma_wait3A_171 : memref<128x512xf32, #tpu.memory_space<hbm>>)
    %dma_wait3A_172 = arith.constant 0 : i32
    %dma_wait3A_173 = tpu.memref_slice %arg3[%add3A_85, %add3A_109, %dma_wait3A_172] : memref<8x4096x512xf32, #tpu.memory_space<hbm>> -> memref<1x128x512xf32, #tpu.memory_space<hbm>>
    %dma_wait3A_174 = tpu.memref_squeeze %dma_wait3A_173 : memref<1x128x512xf32, #tpu.memory_space<hbm>> -> memref<128x512xf32, #tpu.memory_space<hbm>>
    %dma_wait3A_175 = arith.constant 0 : i32
    %dma_wait3A_176 = tpu.memref_slice %arg3[%add3A_85, %add3A_109, %dma_wait3A_175] : memref<8x4096x512xf32, #tpu.memory_space<hbm>> -> memref<1x128x512xf32, #tpu.memory_space<hbm>>
    %dma_wait3A_177 = tpu.memref_squeeze %dma_wait3A_176 : memref<1x128x512xf32, #tpu.memory_space<hbm>> -> memref<128x512xf32, #tpu.memory_space<hbm>>
    tpu.wait_dma2 semaphore(%arg7 : memref<!tpu.dma_semaphore, #tpu.memory_space<semaphore_mem>>) src(%arg5 : memref<128x512xf32, #tpu.memory_space<vmem>>) dst(%dma_wait3A_177 : memref<128x512xf32, #tpu.memory_space<hbm>>)
    %dma_wait3A_178 = arith.constant 0 : i32
    %dma_wait3A_179 = tpu.memref_slice %arg3[%add3A_85, %add3A_119, %dma_wait3A_178] : memref<8x4096x512xf32, #tpu.memory_space<hbm>> -> memref<1x128x512xf32, #tpu.memory_space<hbm>>
    %dma_wait3A_180 = tpu.memref_squeeze %dma_wait3A_179 : memref<1x128x512xf32, #tpu.memory_space<hbm>> -> memref<128x512xf32, #tpu.memory_space<hbm>>
    %dma_wait3A_181 = arith.constant 0 : i32
    %dma_wait3A_182 = tpu.memref_slice %arg3[%add3A_85, %add3A_119, %dma_wait3A_181] : memref<8x4096x512xf32, #tpu.memory_space<hbm>> -> memref<1x128x512xf32, #tpu.memory_space<hbm>>
    %dma_wait3A_183 = tpu.memref_squeeze %dma_wait3A_182 : memref<1x128x512xf32, #tpu.memory_space<hbm>> -> memref<128x512xf32, #tpu.memory_space<hbm>>
    tpu.wait_dma2 semaphore(%arg7 : memref<!tpu.dma_semaphore, #tpu.memory_space<semaphore_mem>>) src(%arg5 : memref<128x512xf32, #tpu.memory_space<vmem>>) dst(%dma_wait3A_183 : memref<128x512xf32, #tpu.memory_space<hbm>>)
    %dma_wait3A_184 = tpu.memref_slice %arg4[%add3A_85, %mul3A_127] : memref<8x4096xi32, #tpu.memory_space<hbm>> -> memref<1x512xi32, #tpu.memory_space<hbm>>
    %dma_wait3A_185 = tpu.memref_squeeze %dma_wait3A_184 : memref<1x512xi32, #tpu.memory_space<hbm>> -> memref<512xi32, #tpu.memory_space<hbm>>
    %dma_wait3A_186 = tpu.memref_slice %arg4[%add3A_85, %mul3A_127] : memref<8x4096xi32, #tpu.memory_space<hbm>> -> memref<1x512xi32, #tpu.memory_space<hbm>>
    %dma_wait3A_187 = tpu.memref_squeeze %dma_wait3A_186 : memref<1x512xi32, #tpu.memory_space<hbm>> -> memref<512xi32, #tpu.memory_space<hbm>>
    tpu.wait_dma2 semaphore(%arg7 : memref<!tpu.dma_semaphore, #tpu.memory_space<semaphore_mem>>) src(%arg6 : memref<512xi32, #tpu.memory_space<vmem>>) dst(%dma_wait3A_187 : memref<512xi32, #tpu.memory_space<hbm>>)
    return
  }
}

module attributes {stable_mosaic.version = 14 : i64} {
  func.func @_tc_body(%arg0: i32, %arg1: memref<7x8x512xf32, #tpu.memory_space<vmem>>, %arg2: memref<1x8x512xf32, #tpu.memory_space<vmem>>, %arg3: memref<7x512xf32, #tpu.memory_space<vmem>>, %arg4: memref<1x512xf32, #tpu.memory_space<vmem>>, %arg5: memref<1x512xi32, #tpu.memory_space<vmem>>, %arg6: memref<8x64xf32, #tpu.memory_space<vmem>>, %arg7: memref<8x64xf32, #tpu.memory_space<vmem>>, %arg8: memref<512xf32, #tpu.memory_space<vmem>>, %arg9: memref<2x512xf32, #tpu.memory_space<vmem>>, %arg10: memref<513x512xf32, #tpu.memory_space<vmem>>, %arg11: memref<1x4096x512xf32, #tpu.memory_space<vmem>>) attributes {dimension_semantics = [#tpu.dimension_semantics<arbitrary>], iteration_bounds = array<i64: 8>, scalar_prefetch = 0 : i64, scratch_operands = 0 : i64, tpu.core_type = #tpu.core_type<tc>, window_params = [{pipeline_mode = #tpu.pipeline_mode<synchronous>, transform_indices = @transform_0, window_bounds = array<i64: 7, 8, 512>}, {transform_indices = @transform_1, window_bounds = array<i64: 1, 8, 512>}, {pipeline_mode = #tpu.pipeline_mode<synchronous>, transform_indices = @transform_2, window_bounds = array<i64: 7, 512>}, {pipeline_mode = #tpu.pipeline_mode<synchronous>, transform_indices = @transform_3, window_bounds = array<i64: 1, 512>}, {pipeline_mode = #tpu.pipeline_mode<synchronous>, transform_indices = @transform_4, window_bounds = array<i64: 1, 512>}, {pipeline_mode = #tpu.pipeline_mode<synchronous>, transform_indices = @transform_5, window_bounds = array<i64: 8, 64>}, {pipeline_mode = #tpu.pipeline_mode<synchronous>, transform_indices = @transform_6, window_bounds = array<i64: 8, 64>}, {pipeline_mode = #tpu.pipeline_mode<synchronous>, transform_indices = @transform_7, window_bounds = array<i64: 512>}, {pipeline_mode = #tpu.pipeline_mode<synchronous>, transform_indices = @transform_8, window_bounds = array<i64: 2, 512>}, {pipeline_mode = #tpu.pipeline_mode<synchronous>, transform_indices = @transform_9, window_bounds = array<i64: 513, 512>}, {transform_indices = @transform_10, window_bounds = array<i64: 1, 4096, 512>}]} {
    %get3A = arith.constant 0 : index
    %get3A_0 = arith.index_cast %arg0 : i32 to index
    %get3A_1 = arith.constant 0 : index
    %get3A_2 = vector.load %arg1[%get3A, %get3A_0, %get3A_1] : memref<7x8x512xf32, #tpu.memory_space<vmem>>, vector<7x1x512xf32>
    %get3A_3 = vector.shape_cast %get3A_2 : vector<7x1x512xf32> to vector<7x512xf32>
    %iota3A = tpu.iota {dimensions = array<i32: 0>} : vector<512x1xi32>
    %convert_element_type3A = arith.sitofp %iota3A : vector<512x1xi32> to vector<512x1xf32>
    %mul3A = arith.constant 0.001953125 : f32
    %mul3A_4 = vector.broadcast %mul3A : f32 to vector<512x1xf32>
    %mul3A_5 = arith.mulf %convert_element_type3A, %mul3A_4 : vector<512x1xf32>
    %get3A_6 = arith.constant 0 : index
    %get3A_7 = arith.constant 0 : index
    %get3A_8 = vector.load %arg3[%get3A_6, %get3A_7] : memref<7x512xf32, #tpu.memory_space<vmem>>, vector<7x512xf32>
    %dot_general3A = arith.constant dense<0.000000e+00> : vector<512x512xf32>
    %dot_general3A_9 = tpu.matmul %get3A_3, %get3A_8, %dot_general3A {dimension_numbers = #tpu.dot_dimension_numbers<[0], [0], [1], [1], [0, 1, 1, 1], [], []>, precision = #tpu.contract_precision<fp32>, transpose_lhs_hint = false} : vector<7x512xf32>, vector<7x512xf32>, vector<512x512xf32> -> vector<512x512xf32>
    %get3A_10 = arith.constant 0 : index
    %get3A_11 = arith.constant 0 : index
    %get3A_12 = vector.load %arg4[%get3A_10, %get3A_11] : memref<1x512xf32, #tpu.memory_space<vmem>>, vector<1x512xf32>
    %mul3A_13 = vector.broadcast %mul3A_5 : vector<512x1xf32> to vector<512x512xf32>
    %mul3A_14 = vector.broadcast %get3A_12 : vector<1x512xf32> to vector<512x512xf32>
    %mul3A_15 = arith.mulf %mul3A_13, %mul3A_14 : vector<512x512xf32>
    %add3A = arith.addf %dot_general3A_9, %mul3A_15 : vector<512x512xf32>
    %get3A_16 = arith.constant 0 : index
    %get3A_17 = arith.constant 0 : index
    %get3A_18 = vector.load %arg6[%get3A_16, %get3A_17] : memref<8x64xf32, #tpu.memory_space<vmem>>, vector<1x64xf32>
    %get3A_19 = arith.constant 1 : index
    %get3A_20 = arith.constant 0 : index
    %get3A_21 = vector.load %arg6[%get3A_19, %get3A_20] : memref<8x64xf32, #tpu.memory_space<vmem>>, vector<1x64xf32>
    %get3A_22 = arith.constant 2 : index
    %get3A_23 = arith.constant 0 : index
    %get3A_24 = vector.load %arg6[%get3A_22, %get3A_23] : memref<8x64xf32, #tpu.memory_space<vmem>>, vector<1x64xf32>
    %get3A_25 = arith.constant 3 : index
    %get3A_26 = arith.constant 0 : index
    %get3A_27 = vector.load %arg6[%get3A_25, %get3A_26] : memref<8x64xf32, #tpu.memory_space<vmem>>, vector<1x64xf32>
    %get3A_28 = arith.constant 4 : index
    %get3A_29 = arith.constant 0 : index
    %get3A_30 = vector.load %arg6[%get3A_28, %get3A_29] : memref<8x64xf32, #tpu.memory_space<vmem>>, vector<1x64xf32>
    %get3A_31 = arith.constant 5 : index
    %get3A_32 = arith.constant 0 : index
    %get3A_33 = vector.load %arg6[%get3A_31, %get3A_32] : memref<8x64xf32, #tpu.memory_space<vmem>>, vector<1x64xf32>
    %get3A_34 = arith.constant 6 : index
    %get3A_35 = arith.constant 0 : index
    %get3A_36 = vector.load %arg6[%get3A_34, %get3A_35] : memref<8x64xf32, #tpu.memory_space<vmem>>, vector<1x64xf32>
    %get3A_37 = arith.constant 7 : index
    %get3A_38 = arith.constant 0 : index
    %get3A_39 = vector.load %arg6[%get3A_37, %get3A_38] : memref<8x64xf32, #tpu.memory_space<vmem>>, vector<1x64xf32>
    %concatenate3A = tpu.concatenate %get3A_18, %get3A_21, %get3A_24, %get3A_27, %get3A_30, %get3A_33, %get3A_36, %get3A_39 in 1 : vector<1x64xf32>, vector<1x64xf32>, vector<1x64xf32>, vector<1x64xf32>, vector<1x64xf32>, vector<1x64xf32>, vector<1x64xf32>, vector<1x64xf32> -> vector<1x512xf32>
    %mul3A_40 = vector.broadcast %concatenate3A : vector<1x512xf32> to vector<512x512xf32>
    %mul3A_41 = arith.mulf %add3A, %mul3A_40 : vector<512x512xf32>
    %get3A_42 = arith.constant 0 : index
    %get3A_43 = arith.constant 0 : index
    %get3A_44 = vector.load %arg7[%get3A_42, %get3A_43] : memref<8x64xf32, #tpu.memory_space<vmem>>, vector<1x64xf32>
    %get3A_45 = arith.constant 1 : index
    %get3A_46 = arith.constant 0 : index
    %get3A_47 = vector.load %arg7[%get3A_45, %get3A_46] : memref<8x64xf32, #tpu.memory_space<vmem>>, vector<1x64xf32>
    %get3A_48 = arith.constant 2 : index
    %get3A_49 = arith.constant 0 : index
    %get3A_50 = vector.load %arg7[%get3A_48, %get3A_49] : memref<8x64xf32, #tpu.memory_space<vmem>>, vector<1x64xf32>
    %get3A_51 = arith.constant 3 : index
    %get3A_52 = arith.constant 0 : index
    %get3A_53 = vector.load %arg7[%get3A_51, %get3A_52] : memref<8x64xf32, #tpu.memory_space<vmem>>, vector<1x64xf32>
    %get3A_54 = arith.constant 4 : index
    %get3A_55 = arith.constant 0 : index
    %get3A_56 = vector.load %arg7[%get3A_54, %get3A_55] : memref<8x64xf32, #tpu.memory_space<vmem>>, vector<1x64xf32>
    %get3A_57 = arith.constant 5 : index
    %get3A_58 = arith.constant 0 : index
    %get3A_59 = vector.load %arg7[%get3A_57, %get3A_58] : memref<8x64xf32, #tpu.memory_space<vmem>>, vector<1x64xf32>
    %get3A_60 = arith.constant 6 : index
    %get3A_61 = arith.constant 0 : index
    %get3A_62 = vector.load %arg7[%get3A_60, %get3A_61] : memref<8x64xf32, #tpu.memory_space<vmem>>, vector<1x64xf32>
    %get3A_63 = arith.constant 7 : index
    %get3A_64 = arith.constant 0 : index
    %get3A_65 = vector.load %arg7[%get3A_63, %get3A_64] : memref<8x64xf32, #tpu.memory_space<vmem>>, vector<1x64xf32>
    %concatenate3A_66 = tpu.concatenate %get3A_44, %get3A_47, %get3A_50, %get3A_53, %get3A_56, %get3A_59, %get3A_62, %get3A_65 in 1 : vector<1x64xf32>, vector<1x64xf32>, vector<1x64xf32>, vector<1x64xf32>, vector<1x64xf32>, vector<1x64xf32>, vector<1x64xf32>, vector<1x64xf32> -> vector<1x512xf32>
    %add3A_67 = vector.broadcast %concatenate3A_66 : vector<1x512xf32> to vector<512x512xf32>
    %add3A_68 = arith.addf %mul3A_41, %add3A_67 : vector<512x512xf32>
    %get3A_69 = arith.constant 0 : index
    %get3A_70 = arith.constant 0 : index
    %get3A_71 = vector.load %arg5[%get3A_69, %get3A_70] : memref<1x512xi32, #tpu.memory_space<vmem>>, vector<1x512xi32>
    %ne3A = arith.constant 0 : i32
    %ne3A_72 = vector.broadcast %ne3A : i32 to vector<1x512xi32>
    %ne3A_73 = arith.cmpi ne, %get3A_71, %ne3A_72 : vector<1x512xi32>
    %mul3A_74 = arith.constant 0.318309873 : f32
    %mul3A_75 = vector.broadcast %mul3A_74 : f32 to vector<512x512xf32>
    %mul3A_76 = arith.mulf %add3A_68, %mul3A_75 : vector<512x512xf32>
    %round3A = math.roundeven %mul3A_76 : vector<512x512xf32>
    %mul3A_77 = arith.constant 3.14159274 : f32
    %mul3A_78 = vector.broadcast %mul3A_77 : f32 to vector<512x512xf32>
    %mul3A_79 = arith.mulf %round3A, %mul3A_78 : vector<512x512xf32>
    %sub3A = arith.subf %add3A_68, %mul3A_79 : vector<512x512xf32>
    %mul3A_80 = arith.mulf %sub3A, %sub3A : vector<512x512xf32>
    %mul3A_81 = arith.constant -1.984080e-04 : f32
    %mul3A_82 = vector.broadcast %mul3A_81 : f32 to vector<512x512xf32>
    %mul3A_83 = arith.mulf %mul3A_80, %mul3A_82 : vector<512x512xf32>
    %add3A_84 = arith.constant 0.00833333097 : f32
    %add3A_85 = vector.broadcast %add3A_84 : f32 to vector<512x512xf32>
    %add3A_86 = arith.addf %add3A_85, %mul3A_83 : vector<512x512xf32>
    %mul3A_87 = arith.mulf %mul3A_80, %add3A_86 : vector<512x512xf32>
    %add3A_88 = arith.constant -0.166666672 : f32
    %add3A_89 = vector.broadcast %add3A_88 : f32 to vector<512x512xf32>
    %add3A_90 = arith.addf %add3A_89, %mul3A_87 : vector<512x512xf32>
    %mul3A_91 = arith.mulf %mul3A_80, %add3A_90 : vector<512x512xf32>
    %add3A_92 = arith.constant 1.000000e+00 : f32
    %add3A_93 = vector.broadcast %add3A_92 : f32 to vector<512x512xf32>
    %add3A_94 = arith.addf %add3A_93, %mul3A_91 : vector<512x512xf32>
    %mul3A_95 = arith.mulf %sub3A, %add3A_94 : vector<512x512xf32>
    %convert_element_type3A_96 = arith.fptosi %round3A : vector<512x512xf32> to vector<512x512xi32>
    %and3A = arith.constant 1 : i32
    %and3A_97 = vector.broadcast %and3A : i32 to vector<512x512xi32>
    %and3A_98 = arith.andi %convert_element_type3A_96, %and3A_97 : vector<512x512xi32>
    %shift_left3A = arith.constant 31 : i32
    %shift_left3A_99 = vector.broadcast %shift_left3A : i32 to vector<512x512xi32>
    %shift_left3A_100 = arith.shli %and3A_98, %shift_left3A_99 : vector<512x512xi32>
    %bitcast_convert_type3A = tpu.bitcast %mul3A_95 : vector<512x512xf32> -> vector<512x512xi32>
    %xor3A = arith.xori %bitcast_convert_type3A, %shift_left3A_100 : vector<512x512xi32>
    %bitcast_convert_type3A_101 = tpu.bitcast %xor3A : vector<512x512xi32> -> vector<512x512xf32>
    %broadcast_in_dim3A = vector.shape_cast %ne3A_73 : vector<1x512xi1> to vector<1x512xi1>
    %broadcast_in_dim3A_102 = vector.broadcast %broadcast_in_dim3A : vector<1x512xi1> to vector<512x512xi1>
    %select_n3A = arith.select %broadcast_in_dim3A_102, %add3A_68, %bitcast_convert_type3A_101 : vector<512x512xi1>, vector<512x512xf32>
    %get3A_103 = arith.constant 1 : index
    %get3A_104 = arith.constant 0 : index
    %get3A_105 = vector.load %arg10[%get3A_103, %get3A_104] : memref<513x512xf32, #tpu.memory_space<vmem>>, vector<512x512xf32>
    %get3A_106 = arith.constant 0 : index
    %get3A_107 = vector.load %arg8[%get3A_106] : memref<512xf32, #tpu.memory_space<vmem>>, vector<512xf32>
    %reshape3A = vector.shape_cast %get3A_107 : vector<512xf32> to vector<1x512xf32>
    %get3A_108 = arith.constant 1 : index
    %get3A_109 = arith.constant 0 : index
    %get3A_110 = vector.load %arg9[%get3A_108, %get3A_109] : memref<2x512xf32, #tpu.memory_space<vmem>>, vector<1x512xf32>
    %add3A_111 = arith.addf %reshape3A, %get3A_110 : vector<1x512xf32>
    %dot_general3A_112 = arith.constant dense<0.000000e+00> : vector<512x512xf32>
    %dot_general3A_113 = tpu.matmul %select_n3A, %get3A_105, %dot_general3A_112 {dimension_numbers = #tpu.dot_dimension_numbers<[1], [0], [0], [1], [0, 0, 1, 1], [], []>, transpose_lhs_hint = false} : vector<512x512xf32>, vector<512x512xf32>, vector<512x512xf32> -> vector<512x512xf32>
    %add3A_114 = vector.broadcast %add3A_111 : vector<1x512xf32> to vector<512x512xf32>
    %add3A_115 = arith.addf %dot_general3A_113, %add3A_114 : vector<512x512xf32>
    %get3A_116 = arith.constant 0 : index
    %get3A_117 = arith.constant 0 : index
    %get3A_118 = vector.load %arg10[%get3A_116, %get3A_117] : memref<513x512xf32, #tpu.memory_space<vmem>>, vector<1x512xf32>
    %get3A_119 = arith.constant 0 : index
    %get3A_120 = arith.constant 0 : index
    %get3A_121 = arith.constant 0 : index
    %get3A_122 = vector.load %arg2[%get3A_119, %get3A_120, %get3A_121] : memref<1x8x512xf32, #tpu.memory_space<vmem>>, vector<1x8x512xf32>
    %get3A_123 = vector.shape_cast %get3A_122 : vector<1x8x512xf32> to vector<8x512xf32>
    %transpose3A = tpu.transpose %get3A_123, [1, 0] : vector<8x512xf32> -> vector<512x8xf32>
    %slice3A = vector.extract_strided_slice %transpose3A {offsets = [0, 0], sizes = [512, 1], strides = [1, 1]} : vector<512x8xf32> to vector<512x1xf32>
    %mul3A_124 = vector.broadcast %slice3A : vector<512x1xf32> to vector<512x512xf32>
    %mul3A_125 = vector.broadcast %get3A_118 : vector<1x512xf32> to vector<512x512xf32>
    %mul3A_126 = arith.mulf %mul3A_124, %mul3A_125 : vector<512x512xf32>
    %add3A_127 = arith.addf %add3A_115, %mul3A_126 : vector<512x512xf32>
    %swap3A = arith.constant 0 : index
    %swap3A_128 = arith.constant 0 : index
    %swap3A_129 = arith.constant 0 : index
    %swap3A_130 = vector.load %arg11[%swap3A, %swap3A_128, %swap3A_129] : memref<1x4096x512xf32, #tpu.memory_space<vmem>>, vector<1x512x512xf32>
    %swap3A_131 = vector.shape_cast %swap3A_130 : vector<1x512x512xf32> to vector<512x512xf32>
    %swap3A_132 = vector.shape_cast %add3A_127 : vector<512x512xf32> to vector<1x512x512xf32>
    tpu.vector_store %arg11[%swap3A, %swap3A_128, %swap3A_129], %swap3A_132 {strides = array<i32>} : memref<1x4096x512xf32, #tpu.memory_space<vmem>>, vector<1x512x512xf32>,
    %slice3A_133 = vector.extract_strided_slice %transpose3A {offsets = [0, 1], sizes = [512, 1], strides = [1, 1]} : vector<512x8xf32> to vector<512x1xf32>
    %mul3A_134 = vector.broadcast %slice3A_133 : vector<512x1xf32> to vector<512x512xf32>
    %mul3A_135 = vector.broadcast %get3A_118 : vector<1x512xf32> to vector<512x512xf32>
    %mul3A_136 = arith.mulf %mul3A_134, %mul3A_135 : vector<512x512xf32>
    %add3A_137 = arith.addf %add3A_115, %mul3A_136 : vector<512x512xf32>
    %swap3A_138 = arith.constant 0 : index
    %swap3A_139 = arith.constant 512 : index
    %swap3A_140 = arith.constant 0 : index
    %swap3A_141 = vector.load %arg11[%swap3A_138, %swap3A_139, %swap3A_140] : memref<1x4096x512xf32, #tpu.memory_space<vmem>>, vector<1x512x512xf32>
    %swap3A_142 = vector.shape_cast %swap3A_141 : vector<1x512x512xf32> to vector<512x512xf32>
    %swap3A_143 = vector.shape_cast %add3A_137 : vector<512x512xf32> to vector<1x512x512xf32>
    tpu.vector_store %arg11[%swap3A_138, %swap3A_139, %swap3A_140], %swap3A_143 {strides = array<i32>} : memref<1x4096x512xf32, #tpu.memory_space<vmem>>, vector<1x512x512xf32>,
    %slice3A_144 = vector.extract_strided_slice %transpose3A {offsets = [0, 2], sizes = [512, 1], strides = [1, 1]} : vector<512x8xf32> to vector<512x1xf32>
    %mul3A_145 = vector.broadcast %slice3A_144 : vector<512x1xf32> to vector<512x512xf32>
    %mul3A_146 = vector.broadcast %get3A_118 : vector<1x512xf32> to vector<512x512xf32>
    %mul3A_147 = arith.mulf %mul3A_145, %mul3A_146 : vector<512x512xf32>
    %add3A_148 = arith.addf %add3A_115, %mul3A_147 : vector<512x512xf32>
    %swap3A_149 = arith.constant 0 : index
    %swap3A_150 = arith.constant 1024 : index
    %swap3A_151 = arith.constant 0 : index
    %swap3A_152 = vector.load %arg11[%swap3A_149, %swap3A_150, %swap3A_151] : memref<1x4096x512xf32, #tpu.memory_space<vmem>>, vector<1x512x512xf32>
    %swap3A_153 = vector.shape_cast %swap3A_152 : vector<1x512x512xf32> to vector<512x512xf32>
    %swap3A_154 = vector.shape_cast %add3A_148 : vector<512x512xf32> to vector<1x512x512xf32>
    tpu.vector_store %arg11[%swap3A_149, %swap3A_150, %swap3A_151], %swap3A_154 {strides = array<i32>} : memref<1x4096x512xf32, #tpu.memory_space<vmem>>, vector<1x512x512xf32>,
    %slice3A_155 = vector.extract_strided_slice %transpose3A {offsets = [0, 3], sizes = [512, 1], strides = [1, 1]} : vector<512x8xf32> to vector<512x1xf32>
    %mul3A_156 = vector.broadcast %slice3A_155 : vector<512x1xf32> to vector<512x512xf32>
    %mul3A_157 = vector.broadcast %get3A_118 : vector<1x512xf32> to vector<512x512xf32>
    %mul3A_158 = arith.mulf %mul3A_156, %mul3A_157 : vector<512x512xf32>
    %add3A_159 = arith.addf %add3A_115, %mul3A_158 : vector<512x512xf32>
    %swap3A_160 = arith.constant 0 : index
    %swap3A_161 = arith.constant 1536 : index
    %swap3A_162 = arith.constant 0 : index
    %swap3A_163 = vector.load %arg11[%swap3A_160, %swap3A_161, %swap3A_162] : memref<1x4096x512xf32, #tpu.memory_space<vmem>>, vector<1x512x512xf32>
    %swap3A_164 = vector.shape_cast %swap3A_163 : vector<1x512x512xf32> to vector<512x512xf32>
    %swap3A_165 = vector.shape_cast %add3A_159 : vector<512x512xf32> to vector<1x512x512xf32>
    tpu.vector_store %arg11[%swap3A_160, %swap3A_161, %swap3A_162], %swap3A_165 {strides = array<i32>} : memref<1x4096x512xf32, #tpu.memory_space<vmem>>, vector<1x512x512xf32>,
    %slice3A_166 = vector.extract_strided_slice %transpose3A {offsets = [0, 4], sizes = [512, 1], strides = [1, 1]} : vector<512x8xf32> to vector<512x1xf32>
    %mul3A_167 = vector.broadcast %slice3A_166 : vector<512x1xf32> to vector<512x512xf32>
    %mul3A_168 = vector.broadcast %get3A_118 : vector<1x512xf32> to vector<512x512xf32>
    %mul3A_169 = arith.mulf %mul3A_167, %mul3A_168 : vector<512x512xf32>
    %add3A_170 = arith.addf %add3A_115, %mul3A_169 : vector<512x512xf32>
    %swap3A_171 = arith.constant 0 : index
    %swap3A_172 = arith.constant 2048 : index
    %swap3A_173 = arith.constant 0 : index
    %swap3A_174 = vector.load %arg11[%swap3A_171, %swap3A_172, %swap3A_173] : memref<1x4096x512xf32, #tpu.memory_space<vmem>>, vector<1x512x512xf32>
    %swap3A_175 = vector.shape_cast %swap3A_174 : vector<1x512x512xf32> to vector<512x512xf32>
    %swap3A_176 = vector.shape_cast %add3A_170 : vector<512x512xf32> to vector<1x512x512xf32>
    tpu.vector_store %arg11[%swap3A_171, %swap3A_172, %swap3A_173], %swap3A_176 {strides = array<i32>} : memref<1x4096x512xf32, #tpu.memory_space<vmem>>, vector<1x512x512xf32>,
    %slice3A_177 = vector.extract_strided_slice %transpose3A {offsets = [0, 5], sizes = [512, 1], strides = [1, 1]} : vector<512x8xf32> to vector<512x1xf32>
    %mul3A_178 = vector.broadcast %slice3A_177 : vector<512x1xf32> to vector<512x512xf32>
    %mul3A_179 = vector.broadcast %get3A_118 : vector<1x512xf32> to vector<512x512xf32>
    %mul3A_180 = arith.mulf %mul3A_178, %mul3A_179 : vector<512x512xf32>
    %add3A_181 = arith.addf %add3A_115, %mul3A_180 : vector<512x512xf32>
    %swap3A_182 = arith.constant 0 : index
    %swap3A_183 = arith.constant 2560 : index
    %swap3A_184 = arith.constant 0 : index
    %swap3A_185 = vector.load %arg11[%swap3A_182, %swap3A_183, %swap3A_184] : memref<1x4096x512xf32, #tpu.memory_space<vmem>>, vector<1x512x512xf32>
    %swap3A_186 = vector.shape_cast %swap3A_185 : vector<1x512x512xf32> to vector<512x512xf32>
    %swap3A_187 = vector.shape_cast %add3A_181 : vector<512x512xf32> to vector<1x512x512xf32>
    tpu.vector_store %arg11[%swap3A_182, %swap3A_183, %swap3A_184], %swap3A_187 {strides = array<i32>} : memref<1x4096x512xf32, #tpu.memory_space<vmem>>, vector<1x512x512xf32>,
    %slice3A_188 = vector.extract_strided_slice %transpose3A {offsets = [0, 6], sizes = [512, 1], strides = [1, 1]} : vector<512x8xf32> to vector<512x1xf32>
    %mul3A_189 = vector.broadcast %slice3A_188 : vector<512x1xf32> to vector<512x512xf32>
    %mul3A_190 = vector.broadcast %get3A_118 : vector<1x512xf32> to vector<512x512xf32>
    %mul3A_191 = arith.mulf %mul3A_189, %mul3A_190 : vector<512x512xf32>
    %add3A_192 = arith.addf %add3A_115, %mul3A_191 : vector<512x512xf32>
    %swap3A_193 = arith.constant 0 : index
    %swap3A_194 = arith.constant 3072 : index
    %swap3A_195 = arith.constant 0 : index
    %swap3A_196 = vector.load %arg11[%swap3A_193, %swap3A_194, %swap3A_195] : memref<1x4096x512xf32, #tpu.memory_space<vmem>>, vector<1x512x512xf32>
    %swap3A_197 = vector.shape_cast %swap3A_196 : vector<1x512x512xf32> to vector<512x512xf32>
    %swap3A_198 = vector.shape_cast %add3A_192 : vector<512x512xf32> to vector<1x512x512xf32>
    tpu.vector_store %arg11[%swap3A_193, %swap3A_194, %swap3A_195], %swap3A_198 {strides = array<i32>} : memref<1x4096x512xf32, #tpu.memory_space<vmem>>, vector<1x512x512xf32>,
    %slice3A_199 = vector.extract_strided_slice %transpose3A {offsets = [0, 7], sizes = [512, 1], strides = [1, 1]} : vector<512x8xf32> to vector<512x1xf32>
    %mul3A_200 = vector.broadcast %slice3A_199 : vector<512x1xf32> to vector<512x512xf32>
    %mul3A_201 = vector.broadcast %get3A_118 : vector<1x512xf32> to vector<512x512xf32>
    %mul3A_202 = arith.mulf %mul3A_200, %mul3A_201 : vector<512x512xf32>
    %add3A_203 = arith.addf %add3A_115, %mul3A_202 : vector<512x512xf32>
    %swap3A_204 = arith.constant 0 : index
    %swap3A_205 = arith.constant 3584 : index
    %swap3A_206 = arith.constant 0 : index
    %swap3A_207 = vector.load %arg11[%swap3A_204, %swap3A_205, %swap3A_206] : memref<1x4096x512xf32, #tpu.memory_space<vmem>>, vector<1x512x512xf32>
    %swap3A_208 = vector.shape_cast %swap3A_207 : vector<1x512x512xf32> to vector<512x512xf32>
    %swap3A_209 = vector.shape_cast %add3A_203 : vector<512x512xf32> to vector<1x512x512xf32>
    tpu.vector_store %arg11[%swap3A_204, %swap3A_205, %swap3A_206], %swap3A_209 {strides = array<i32>} : memref<1x4096x512xf32, #tpu.memory_space<vmem>>, vector<1x512x512xf32>,
    return
  }
  func.func @transform_0(%arg0: i32) -> (i32, i32, i32) {
    %c0_i32 = arith.constant 0 : i32
    %c0_i32_0 = arith.constant 0 : i32
    %c0_i32_1 = arith.constant 0 : i32
    %c0_i32_2 = arith.constant 0 : i32
    return %c0_i32, %c0_i32_0, %c0_i32_1 : i32, i32, i32
  }
  func.func @transform_1(%arg0: i32) -> (i32, i32, i32) {
    %c0_i32 = arith.constant 0 : i32
    %c0_i32_0 = arith.constant 0 : i32
    %c0_i32_1 = arith.constant 0 : i32
    return %arg0, %c0_i32, %c0_i32_0 : i32, i32, i32
  }
  func.func @transform_2(%arg0: i32) -> (i32, i32) {
    %c0_i32 = arith.constant 0 : i32
    %c0_i32_0 = arith.constant 0 : i32
    %c0_i32_1 = arith.constant 0 : i32
    return %c0_i32, %c0_i32_0 : i32, i32
  }
  func.func @transform_3(%arg0: i32) -> (i32, i32) {
    %c0_i32 = arith.constant 0 : i32
    %c0_i32_0 = arith.constant 0 : i32
    %c0_i32_1 = arith.constant 0 : i32
    return %c0_i32, %c0_i32_0 : i32, i32
  }
  func.func @transform_4(%arg0: i32) -> (i32, i32) {
    %c0_i32 = arith.constant 0 : i32
    %c0_i32_0 = arith.constant 0 : i32
    %c0_i32_1 = arith.constant 0 : i32
    return %c0_i32, %c0_i32_0 : i32, i32
  }
  func.func @transform_5(%arg0: i32) -> (i32, i32) {
    %c0_i32 = arith.constant 0 : i32
    %c0_i32_0 = arith.constant 0 : i32
    %c0_i32_1 = arith.constant 0 : i32
    return %c0_i32, %c0_i32_0 : i32, i32
  }
  func.func @transform_6(%arg0: i32) -> (i32, i32) {
    %c0_i32 = arith.constant 0 : i32
    %c0_i32_0 = arith.constant 0 : i32
    %c0_i32_1 = arith.constant 0 : i32
    return %c0_i32, %c0_i32_0 : i32, i32
  }
  func.func @transform_7(%arg0: i32) -> i32 {
    %c0_i32 = arith.constant 0 : i32
    %c0_i32_0 = arith.constant 0 : i32
    return %c0_i32 : i32
  }
  func.func @transform_8(%arg0: i32) -> (i32, i32) {
    %c0_i32 = arith.constant 0 : i32
    %c0_i32_0 = arith.constant 0 : i32
    %c0_i32_1 = arith.constant 0 : i32
    return %c0_i32, %c0_i32_0 : i32, i32
  }
  func.func @transform_9(%arg0: i32) -> (i32, i32) {
    %c0_i32 = arith.constant 0 : i32
    %c0_i32_0 = arith.constant 0 : i32
    %c0_i32_1 = arith.constant 0 : i32
    return %c0_i32, %c0_i32_0 : i32, i32
  }
  func.func @transform_10(%arg0: i32) -> (i32, i32, i32) {
    %c0_i32 = arith.constant 0 : i32
    %c0_i32_0 = arith.constant 0 : i32
    %c0_i32_1 = arith.constant 0 : i32
    return %arg0, %c0_i32, %c0_i32_0 : i32, i32, i32
  }
}

</mosaic_0001>

<sc_bundles>
// kernel: kernel.4.cloned.1.call-start
scs
__scs_entry_jumppad:
0x0: {  	(pc) =	sbr.rel $0x88, $3  }
0x1: {  	(tag) =	ssettag $0x0;
	lr =	simm.s32 $0x1  }
0x2: {  	[smem:$0x3F99] =	sst lr;
	_ =	strace $0xD0000000  }
0x3: {  	_ = 	snop  }
0x4: {  	_ = 	snop  }
0x5: {  	_ = 	snop  }
0x6: {  	_ = 	snop  }
0x7: {  	_ = 	snop  }
__scs_overlays_trampoline_lowered:
0x8: {  	[smem:$0x3FA8] =	sst s0  }
0x9: {  	[smem:$0x3FA9] =	sst s1  }
0xa: {  	[smem:$0x3FAA] =	sst s2  }
0xb: {  	[smem:$0x3FAB] =	sst s3  }
0xc: {  	[smem:$0x3FAC] =	sst s4  }
0xd: {  	[smem:$0x3FAD] =	sst s5  }
0xe: {  	[smem:$0x3FAE] =	sst s6  }
0xf: {  	[smem:$0x3FAF] =	sst s7  }
0x10: {  	[smem:$0x3FB0] =	sst s8  }
0x11: {  	[smem:$0x3FB1] =	sst s9;
	s0 =	simm.s32 @!p0 $0x0  }
0x12: {  	s1 =	sld [smem:$0x3F97];
	s0 =	simm.s32 @p0 $0x1  }
0x13: {  	[smem:$0x3FB2] =	sst s0;
	s0 =	simm.s32 @!p1 $0x0  }
0x14: {  	s2 =	sld [smem:$0x3F96];
	s0 =	simm.s32 @p1 $0x1  }
0x15: {  	[smem:$0x3FB3] =	sst s0;
	s0 =	simm.s32 @!p2 $0x0  }
0x16: {  	s3 =	sld [smem:$0x3FDB];
	s0 =	simm.s32 @p2 $0x1  }
0x17: {  	s4 =	simm.s32 $0x1BF5;
	[smem:$0x3FB5] =	sst s0  }
0x18: {  	s0 =	sld [smem:$0x3F98];
	_ =	swait.ge [sflag:s4], $0x0  }
0x19: {  	s7 =	sld [smem:$0x3F99]  }
0x1a: {  	s8 =	sadd.s32 $0xFFFFE003, lr  }
0x1b: {  	s9 =	sadd.s32 $0xFFFFFEF7, lr;
	s5 =	simm.s32 $0xFFFFFFFF;
	p2 =	slt.u32 s8, $0xFFFFF086  }
0x1c: {  	p1 =	slt.u32 s9, $0xF7A;
	s5 =	simm.s32 @!p2 $0x0  }
0x1d: {  	s5 =	simm.s32 @p1 $0x1;
	p0 =	seq.s32 s7, s2  }
0x1e: {  	s7 =	smul.u32 @!p0 $0xF7A, s2;
	p2 =	seq.s32 @!p0 s5, $0x0  }
0x1f: {  	s9 =	smul.u32 $0xF7A, s1;
	s8 =	simm.s32 @!p0 $0x1BF5;
	p2 =	por !p2, p0  }
0x20: {  	[sflag:s8] =	ssyncset.s32 @!p0 $0xFFFFF086;
	s6 =	sadd.s32 @!p0 s3, s7;
	s7 =	simm.s32 @!p0 $0x108  }
0x21: {  	s3 =	sadd.s32 s3, s9;
	s6 =	sadd.s32 @!p0 $0x88, s6;
	s7 =	simm.s32 @p2 $0x1082  }
0x22: {  	[simem:s7], [sflag:s8] =	dma.local @!p0 [hbm:s6], $0xF7A  }
0x23: {  	s9 =	sor.u32 $0xD0000000, s2;
	s6 =	simm.s32 $0x108;
	_ =	swait.ge @!p0 [sflag:s8], $0x0  }
0x24: {  	s3 =	sadd.s32 $0x88, s3;
	s6 =	simm.s32 @!p1 $0x1082;
	[sflag:s4] =	ssyncset.s32 $0xFFFFF086  }
0x25: {  	[simem:s6], [sflag:s4] =	dma.local [hbm:s3], $0xF7A  }
0x26: {  	[smem:$0x3F99] =	sst s1;
	(tag) =	ssettag s2;
	_ =	strace s9  }
0x27: {  	s1 =	sld [smem:$0x3FA9]  }
0x28: {  	s2 =	sld [smem:$0x3FAA]  }
0x29: {  	s4 =	sld [smem:$0x3FAC]  }
0x2a: {  	p0 =	seq.s32 s5, $0x0;
	s5 =	sld [smem:$0x3FAD]  }
0x2b: {  	s6 =	sld [smem:$0x3FAE]  }
0x2c: {  	s7 =	sld [smem:$0x3FAF]  }
0x2d: {  	s3 =	simm.s32 $0x108;
	s8 =	sld [smem:$0x3FB0]  }
0x2e: {  	s3 =	simm.s32 @!p0 $0x1082;
	s9 =	sld [smem:$0x3FB1]  }
0x2f: {  	lr =	sadd.s32 s0, s3;
	s0 =	sld [smem:$0x3FA8]  }
0x30: {  	s3 =	sld [smem:$0x3FAB]  }
0x31: {  	[smem:$0x3FB4] =	sst s10  }
0x32: {  	s10 =	sld [smem:$0x3FB2];
	_ =	sdelay $0x3  }
0x33: {  	p0 =	seq.s32 s10, $0x1;
	s10 =	sld [smem:$0x3FB4];
	_ =	sdelay $0x3  }
0x34: {  	[smem:$0x3FB4] =	sst s10  }
0x35: {  	s10 =	sld [smem:$0x3FB3];
	_ =	sdelay $0x3  }
0x36: {  	p1 =	seq.s32 s10, $0x1;
	s10 =	sld [smem:$0x3FB4];
	_ =	sdelay $0x3  }
0x37: {  	[smem:$0x3FB4] =	sst s10  }
0x38: {  	s10 =	sld [smem:$0x3FB5]  }
0x39: {  	_ = 	snop;
	(pc) =	sbr.ind lr, $3  }
0x3a: {  	_ = 	snop  }
0x3b: {  	_ = 	snop  }
0x3c: {  	p2 =	seq.s32 s10, $0x1;
	s10 =	sld [smem:$0x3FB4]  }
0x3d: {  	_ =	shalt  }
0x3e: {  	_ =	shalt  }
0x3f: {  	_ =	shalt  }
0x40: {  	_ =	shalt  }
0x41: {  	_ =	shalt  }
0x42: {  	_ =	shalt  }
0x43: {  	_ =	shalt  }
0x44: {  	_ =	shalt  }
0x45: {  	_ =	shalt  }
0x46: {  	_ =	shalt  }
0x47: {  	_ =	shalt  }
0x48: {  	_ =	shalt  }
0x49: {  	_ =	shalt  }
0x4a: {  	_ =	shalt  }
0x4b: {  	_ =	shalt  }
0x4c: {  	_ =	shalt  }
0x4d: {  	_ =	shalt  }
0x4e: {  	_ =	shalt  }
0x4f: {  	_ =	shalt  }
0x50: {  	_ =	shalt  }
0x51: {  	_ =	shalt  }
0x52: {  	_ =	shalt  }
0x53: {  	_ =	shalt  }
0x54: {  	_ =	shalt  }
0x55: {  	_ =	shalt  }
0x56: {  	_ =	shalt  }
0x57: {  	_ =	shalt  }
0x58: {  	_ =	shalt  }
0x59: {  	_ =	shalt  }
0x5a: {  	_ =	shalt  }
0x5b: {  	_ =	shalt  }
0x5c: {  	_ =	shalt  }
0x5d: {  	_ =	shalt  }
0x5e: {  	_ =	shalt  }
0x5f: {  	_ =	shalt  }
0x60: {  	_ =	shalt  }
0x61: {  	_ =	shalt  }
0x62: {  	_ =	shalt  }
0x63: {  	_ =	shalt  }
0x64: {  	_ =	shalt  }
0x65: {  	_ =	shalt  }
0x66: {  	_ =	shalt  }
0x67: {  	_ =	shalt  }
0x68: {  	_ =	shalt  }
0x69: {  	_ =	shalt  }
0x6a: {  	_ =	shalt  }
0x6b: {  	_ =	shalt  }
0x6c: {  	_ =	shalt  }
0x6d: {  	_ =	shalt  }
0x6e: {  	_ =	shalt  }
0x6f: {  	_ =	shalt  }
0x70: {  	_ =	shalt  }
0x71: {  	_ =	shalt  }
0x72: {  	_ =	shalt  }
0x73: {  	_ =	shalt  }
0x74: {  	_ =	shalt  }
0x75: {  	_ =	shalt  }
0x76: {  	_ =	shalt  }
0x77: {  	_ =	shalt  }
0x78: {  	_ =	shalt  }
0x79: {  	_ =	shalt  }
0x7a: {  	_ =	shalt  }
0x7b: {  	_ =	shalt  }
0x7c: {  	_ =	shalt  }
0x7d: {  	_ =	shalt  }
0x7e: {  	_ =	shalt  }
0x7f: {  	_ =	shalt  }
0x80: {  	_ =	shalt  }
0x81: {  	_ =	shalt  }
0x82: {  	_ =	shalt  }
0x83: {  	_ =	shalt  }
0x84: {  	_ =	shalt  }
0x85: {  	_ =	shalt  }
0x86: {  	_ =	shalt  }
0x87: {  	_ =	shalt  }
.Lfunc_end0:
.L_simem_size_0:
called_computation_lowered:
.L_overlay_start_0:
0x88: {  	s2 =	sld [smem:$0x3FD9]  }
0x89: {  	s3 =	sld [smem:$0x3FFE];
	_ =	sdelay $0x1  }
0x8a: {  	s1 =	srdreg.scid  }
0x8b: {  	s0 =	sand.u32 $0x1, s1  }
0x8c: {  	s15 =	sshll.u32 s0, $0xA;
	s2 =	sadd.s32 s3, s2  }
0x8d: {  	s2 =	sadd.s32 s2, s15  }
0x8e: {  	[smem:$0x3FC0] =	sst s2  }
0x8f: {  	_ = 	snop  }
0x90: {  	s2 =	sld [smem:$0x3FD0];
	_ =	sdelay $0x2  }
0x91: {  	s4 =	simm.s32 $0xA;
	s5 =	simm.s32 $0x10;
	s16 =	sld [smem:$0x3FC3]  }
0x92: {  	[smem:s5], [sflag:s4] =	dma.local [hbm:s2], $0x1  }
0x93: {  	_ =	swait.eq [sflag:s4], $0x1  }
0x94: {  	[sflag:s4] =	ssyncset.done $0x0  }
0x95: {  	s17 =	sld [smem:$0x11];
	[sflag:s4] =	ssyncadd.s32 $0xFFFFFFFF  }
0x96: {  	s18 =	sld [smem:$0x12];
	(tm) =	ssettm $0x1  }
0x97: {  	s19 =	sld [smem:$0x3FFB];
	_ =	sdelay $0x3  }
0x98: {  	_ =	strace s19  }
0x99: {  	s5 =	sld [smem:$0x3FFC];
	_ =	sdelay $0x3  }
0x9a: {  	_ =	strace s5  }
0x9b: {  	s5 =	sld [smem:$0x3FFD];
	_ =	sdelay $0x3  }
0x9c: {  	_ =	strace s5  }
0x9d: {  	_ =	strace $0x8FFFFFFF  }
0x9e: {  	s20 =	sld [smem:$0x3FDB];
	_ =	sdelay $0x1  }
0x9f: {  	s6 =	simm.s32 $_scs_section_size  }
0xa0: {  	s7 =	simm.s32 $_size__tile_overlayer_lowered;
	s8 =	simm.s32 $_tile_overlayer_lowered  }
0xa1: {  	s23 =	simm.s32 $0x1BFF;
	s22 =	sshll.u32 s8, $0x1;
	s5 =	sadd.s32 s6, s20  }
0xa2: {  	s9 =	simm.s32 $0x0;
	s21 =	sshll.u32 s7, $0x1;
	s7 =	sadd.s32 s22, s5  }
0xa3: {  	[timem:s9], [sflag:s23] =	dma.local [hbm:s7], s21  }
0xa4: {  	_ =	swait.ge [sflag:s23], s21  }
0xa5: {  	s6 =	ssub.s32 $0x0, s21;
	[sflag:s23] =	ssyncset.done $0x0  }
0xa6: {  	[sflag:s23] =	ssyncadd.s32 s6;
	_ =	sdelay $0x1  }
0xa7: {  	s24 =	simm.s32 $0x1B8B  }
0xa8: {  	_ =	swait.ge [sflag:s24], $0x1  }
0xa9: {  	[sflag:s24] =	ssyncset.done $0x0  }
0xaa: {  	s25 =	simm.s32 $0x1B8E;
	[sflag:s24] =	ssyncadd.s32 $0xFFFFFFFF  }
0xab: {  	s26 =	simm.s32 $execute0_lowered;
	[smem:$0x3FD2] =	sst s25  }
0xac: {  	s6 =	sshll.u32 s26, $0x1;
	_ =	strace $0x80000046;
	[dreg:$0x1] =	wrdreg $0xFFFFFFFF  }
0xad: {  	s28 =	simm.s32 $_size_execute0_lowered;
	s5 =	sadd.s32 s5, s6;
	[dreg:$0x0] =	wrdreg $0x0  }
0xae: {  	s6 =	sshll.u32 s28, $0x1;
	[dreg:$0x2] =	wrdreg s5  }
0xaf: {  	[dreg:$0x3] =	wrdreg s6  }
0xb0: {  	[dreg:$0x4] =	wrdreg $0xC0  }
0xb1: {  	_ =	task [dreg:s9], $0x5FFFF  }
0xb2: {  	[dreg:$0x1] =	wrdreg $0xFFFFFFFF  }
0xb3: {  	[dreg:$0x0] =	wrdreg $0x60  }
0xb4: {  	[dreg:$0x2] =	wrdreg s16  }
0xb5: {  	[dreg:$0x3] =	wrdreg s17  }
0xb6: {  	[dreg:$0x4] =	wrdreg s18  }
0xb7: {  	[dreg:$0x5] =	wrdreg $0x9  }
0xb8: {  	_ =	task.clear_ibuf [dreg:s9], $0x6FFFF;
	_ =	strace $0x90000046  }
0xb9: {  	s29 =	simm.s32 $0x9;
	_ =	strace $0x80000048  }
0xba: {  	_ =	swait.ge [sflag:s29], $0x1  }
0xbb: {  	[sflag:s29] =	ssyncadd.s32 $0xFFFFFFFF  }
0xbc: {  	_ =	strace $0x90000048  }
0xbd: {  	_ =	sfence  }
0xbe: {  	s30 =	sld [smem:$0x0];
	_ =	sdelay $0x2  }
0xbf: {  	s31 =	sshll.u32 s1, $0xD;
	s1 =	sshrl.u32 s1, $0x2  }
0xc0: {  	s3 =	sand.u32 $0x4000, s31;
	s1 =	sadd.s32 s1, s30  }
0xc1: {  	s0 =	sor.u32 s3, s0;
	s1 =	sshll.u32 s1, $0x11  }
0xc2: {  	s0 =	sor.u32 s1, s0  }
0xc3: {  	s0 =	sadd.s32 $0x8F2B, s0  }
0xc4: {  	[sflag:s0] =	ssyncadd.remote.s32 $0x1  }
0xc5: {  	_ =	sfence.sel $0xFFFF  }
0xc6: {  	[dreg:$0x0] =	wrdreg $0xFFFFFFFF;
	(pc) =	sbr.abs _section_cstart, $3  }
0xc7: {  	[dreg:$0x1] =	wrdreg $0xFFFFFFFF  }
0xc8: {  	_ =	task.clear_ibuf [dreg:s9], $0x2FFFF;
	_ =	strace $0x9FFFFFFF  }
0xc9: {  	(tm) =	ssettm $0x7FFFFFFF  }
tec
execute0_lowered:
.L_overlay_start_1:
0x0: {  	(tag) =	ssettag $0x1  }
0x1: {  	s3 =	rddreg [dreg:$0x0]  }
0x2: {  	s12 =	rddreg [dreg:$0x1]  }
0x3: {  	s0 =	srdreg.scid;
	s13 =	rddreg [dreg:$0x2]  }
0x4: {  	s1 =	stileid.u32;
	s2 =	simm.s32 $0x0;
	s19 =	simm.s32 $0x800  }
0x5: {  	s20 =	simm.s32 $0xC00;
	s4 =	sand.u32 $0x1, s0;
	s0 =	rddreg [dreg:$0x3]  }
0x6: {  	s21 =	simm.s32 $0x1;
	[smem:$0x7FF] =	sst s2;
	s22 =	sand.u32 $0x7, s1  }
0x7: {  	s5 =	sshll.u32 s4, $0x4;
	s4 =	ssub.s32 $0x2, s4;
	s9 =	sshll.u32 s22, $0x12  }
0x8: {  	_ =	strace $0x80000047;
	s23 =	sshll.u32 s22, $0x4;
	s17 =	sshll.u32 s22, $0xC  }
0x9: {  	v0 =	vmov s22;
	s22 =	simm.s32 $0x80;
	s5 =	sor.u32 s1, s5;
	s6 =	sshrl.u32 s4, $0x1  }
0xa: {  	s3 =	sadd.s32 s3, s23;
	s10 =	sor.u32 $0x10000, s9;
	s11 =	sor.u32 $0x20000, s9  }
0xb: {  	s15 =	sor.u32 $0x30000, s9;
	s23 =	simm.s32 $0x10000;
	s8 =	sshrl.u32 s5, $0x3  }
0xc: {  	s14 =	ssub.s32 s4, s6;
	s5 =	sshll.u32 s8, $0x15;
	s30 =	sor.u32 $0x4, s8  }
0xd: {  	s8 =	sshll.u32 s8, $0x7;
	s14 =	smax.u32 s14, $0x1;
	s7 =	sor.u32 s9, s5  }
0xe: {  	s25 =	sor.u32 s10, s5;
	s26 =	sor.u32 s11, s5;
	s16 =	sor.u32 s15, s5  }
0xf: {  	s18 =	sshll.u32 s30, $0x15;
	s8 =	sor.u32 s17, s8;
	s24 =	sshrl.u32 s7, $0x3  }
0x10: {  	s6 =	sshrl.u32 s25, $0x3;
	s28 =	sshrl.u32 s26, $0x3;
	s29 =	sshrl.u32 s16, $0x3  }
0x11: {  	s9 =	sor.u32 s9, s18;
	s10 =	sor.u32 s10, s18;
	s8 =	sshrl.u32 s8, $0x3  }
0x12: {  	s11 =	sor.u32 s11, s18;
	s15 =	sor.u32 s15, s18;
	s16 =	sshll.u32 s30, $0x7  }
0x13: {  	s18 =	simm.s32 $0x400;
	s4 =	sadd.s32 s12, s24;
	s5 =	sadd.s32 s12, s6  }
0x14: {  	s6 =	sadd.s32 s12, s28;
	s7 =	sadd.s32 s12, s29;
	s9 =	sshrl.u32 s9, $0x3  }
0x15: {  	s10 =	sshrl.u32 s10, $0x3;
	s8 =	sadd.s32 s13, s8;
	s11 =	sshrl.u32 s11, $0x3  }
0x16: {  	s15 =	sshrl.u32 s15, $0x3;
	s16 =	sor.u32 s17, s16;
	s17 =	sadd.s32 $0x180, s3  }
0x17: {  	s24 =	simm.s32 $0x0;
	s9 =	sadd.s32 s12, s9;
	s10 =	sadd.s32 s12, s10  }
0x18: {  	s11 =	sadd.s32 s12, s11;
	s12 =	sadd.s32 s12, s15;
	s31 =	sshrl.u32 s16, $0x3  }
0x19: {  	s15 =	sadd.s32 $0x80, s3;
	s16 =	sadd.s32 $0x100, s3;
	s13 =	sadd.s32 s13, s31  }
.LBB2_1:
0x1a: {  	[tilespmem:s2], [sflag:$0x1] =	stream.linear.gather [hbm4b:s3+s2], $0x80, $0x38;
	[tilespmem:$0x10200] =	vst v63  }
0x1b: {  	_ = 	snop  }
0x1c: {  	[tilespmem:s18], [sflag:$0x1] =	stream.linear.gather [hbm4b:s15+s2], $0x80, $0x38;
	[tilespmem:$0x10200] =	vst v63  }
0x1d: {  	_ = 	snop  }
0x1e: {  	[tilespmem:s19], [sflag:$0x1] =	stream.linear.gather [hbm4b:s16+s2], $0x80, $0x38;
	[tilespmem:$0x10200] =	vst v63  }
0x1f: {  	_ = 	snop  }
0x20: {  	[tilespmem:s20], [sflag:$0x1] =	stream.linear.gather [hbm4b:s17+s2], $0x80, $0x38;
	[tilespmem:$0x10200] =	vst v63  }
0x21: {  	_ =	swait.ge [sflag:s21], $0x200  }
0x22: {  	s25 =	sand.u32 $0x70, s2;
	s26 =	sand.u32 $0xC00, s2;
	[sflag:s21] =	ssyncset.done $0x0  }
0x23: {  	s25 =	sor.u32 s25, s26;
	[sflag:s21] =	ssyncadd.s32 $0xFFFFFE00  }
0x24: {  	v2 =	vld [tilespmem:s25+$0x0];
	_ =	sdelay $0x3  }
0x25: {  	s29 =	simm.s32 $0x10;
	s28 =	simm.s32 $0x0;
	s26 =	simm.s32 $0x0  }
.LBB2_2:
0x26: {  	p0 =	sne.s32 s29, $0x1F0;
	[tilespmem:s25+$0x80] =	vst v2;
	v1 =	vmov v2  }
0x27: {  	[tilespmem:s25+$0x100] =	vst v1  }
0x28: {  	[tilespmem:s25+$0x180] =	vst v1  }
0x29: {  	[tilespmem:s25+$0x200] =	vst v1  }
0x2a: {  	s30 =	sor.u32 s28, s26;
	s26 =	smov.u32 s29;
	[tilespmem:s25+$0x280] =	vst v1  }
0x2b: {  	s30 =	sor.u32 $0x380, s30;
	[tilespmem:s25+$0x300] =	vst v1  }
0x2c: {  	[tilespmem:s30+$0x0] =	vst v1  }
0x2d: {  	[tilespmem:s25+$0x1000] =	vst v1  }
0x2e: {  	[tilespmem:s25+$0x1080] =	vst v1  }
0x2f: {  	[tilespmem:s25+$0x1100] =	vst v1  }
0x30: {  	[tilespmem:s25+$0x1180] =	vst v1  }
0x31: {  	[tilespmem:s25+$0x1200] =	vst v1  }
0x32: {  	[tilespmem:s25+$0x1280] =	vst v1  }
0x33: {  	[tilespmem:s25+$0x1300] =	vst v1  }
0x34: {  	[tilespmem:s25+$0x1380] =	vst v1  }
0x35: {  	[tilespmem:s25+$0x2000] =	vst v1  }
0x36: {  	[tilespmem:s25+$0x2080] =	vst v1  }
0x37: {  	[tilespmem:s25+$0x2100] =	vst v1  }
0x38: {  	[tilespmem:s25+$0x2180] =	vst v1  }
0x39: {  	[tilespmem:s25+$0x2200] =	vst v1  }
0x3a: {  	[tilespmem:s25+$0x2280] =	vst v1  }
0x3b: {  	[tilespmem:s25+$0x2300] =	vst v1  }
0x3c: {  	[tilespmem:s25+$0x2380] =	vst v1  }
0x3d: {  	[tilespmem:s25+$0x3000] =	vst v1  }
0x3e: {  	[tilespmem:s25+$0x3080] =	vst v1  }
0x3f: {  	[tilespmem:s25+$0x3100] =	vst v1  }
0x40: {  	[tilespmem:s25+$0x3180] =	vst v1  }
0x41: {  	[tilespmem:s25+$0x3200] =	vst v1  }
0x42: {  	[tilespmem:s25+$0x3280] =	vst v1  }
0x43: {  	[tilespmem:s25+$0x3300] =	vst v1  }
0x44: {  	[tilespmem:s25+$0x3380] =	vst v1  }
0x45: {  	[tilespmem:s25+$0x4000] =	vst v1  }
0x46: {  	[tilespmem:s25+$0x4080] =	vst v1  }
0x47: {  	[tilespmem:s25+$0x4100] =	vst v1  }
0x48: {  	[tilespmem:s25+$0x4180] =	vst v1  }
0x49: {  	[tilespmem:s25+$0x4200] =	vst v1  }
0x4a: {  	[tilespmem:s25+$0x4280] =	vst v1  }
0x4b: {  	[tilespmem:s25+$0x4300] =	vst v1  }
0x4c: {  	[tilespmem:s25+$0x4380] =	vst v1  }
0x4d: {  	[tilespmem:s25+$0x5000] =	vst v1  }
0x4e: {  	[tilespmem:s25+$0x5080] =	vst v1  }
0x4f: {  	[tilespmem:s25+$0x5100] =	vst v1  }
0x50: {  	[tilespmem:s25+$0x5180] =	vst v1  }
0x51: {  	[tilespmem:s25+$0x5200] =	vst v1  }
0x52: {  	[tilespmem:s25+$0x5280] =	vst v1  }
0x53: {  	[tilespmem:s25+$0x5300] =	vst v1  }
0x54: {  	[tilespmem:s25+$0x5380] =	vst v1  }
0x55: {  	[tilespmem:s25+$0x6000] =	vst v1  }
0x56: {  	[tilespmem:s25+$0x6080] =	vst v1  }
0x57: {  	[tilespmem:s25+$0x6100] =	vst v1  }
0x58: {  	[tilespmem:s25+$0x6180] =	vst v1  }
0x59: {  	[tilespmem:s25+$0x6200] =	vst v1  }
0x5a: {  	[tilespmem:s25+$0x6280] =	vst v1  }
0x5b: {  	[tilespmem:s25+$0x6300] =	vst v1  }
0x5c: {  	[tilespmem:s25+$0x6380] =	vst v1  }
0x5d: {  	[tilespmem:s25+$0x7000] =	vst v1  }
0x5e: {  	[tilespmem:s25+$0x7080] =	vst v1  }
0x5f: {  	[tilespmem:s25+$0x7100] =	vst v1  }
0x60: {  	[tilespmem:s25+$0x7180] =	vst v1  }
0x61: {  	[tilespmem:s25+$0x7200] =	vst v1  }
0x62: {  	[tilespmem:s25+$0x7280] =	vst v1  }
0x63: {  	[tilespmem:s25+$0x7300] =	vst v1  }
0x64: {  	[tilespmem:s25+$0x7380] =	vst v1  }
0x65: {  	[tilespmem:s25+$0x8000] =	vst v1  }
0x66: {  	[tilespmem:s25+$0x8080] =	vst v1  }
0x67: {  	[tilespmem:s25+$0x8100] =	vst v1  }
0x68: {  	[tilespmem:s25+$0x8180] =	vst v1  }
0x69: {  	[tilespmem:s25+$0x8200] =	vst v1  }
0x6a: {  	[tilespmem:s25+$0x8280] =	vst v1  }
0x6b: {  	[tilespmem:s25+$0x8300] =	vst v1  }
0x6c: {  	[tilespmem:s25+$0x8380] =	vst v1  }
0x6d: {  	[tilespmem:s25+$0x9000] =	vst v1  }
0x6e: {  	[tilespmem:s25+$0x9080] =	vst v1  }
0x6f: {  	[tilespmem:s25+$0x9100] =	vst v1  }
0x70: {  	[tilespmem:s25+$0x9180] =	vst v1  }
0x71: {  	[tilespmem:s25+$0x9200] =	vst v1  }
0x72: {  	[tilespmem:s25+$0x9280] =	vst v1  }
0x73: {  	[tilespmem:s25+$0x9300] =	vst v1  }
0x74: {  	[tilespmem:s25+$0x9380] =	vst v1  }
0x75: {  	[tilespmem:s25+$0xA000] =	vst v1  }
0x76: {  	[tilespmem:s25+$0xA080] =	vst v1  }
0x77: {  	[tilespmem:s25+$0xA100] =	vst v1  }
0x78: {  	[tilespmem:s25+$0xA180] =	vst v1  }
0x79: {  	[tilespmem:s25+$0xA200] =	vst v1  }
0x7a: {  	[tilespmem:s25+$0xA280] =	vst v1  }
0x7b: {  	[tilespmem:s25+$0xA300] =	vst v1  }
0x7c: {  	[tilespmem:s25+$0xA380] =	vst v1  }
0x7d: {  	[tilespmem:s25+$0xB000] =	vst v1  }
0x7e: {  	[tilespmem:s25+$0xB080] =	vst v1  }
0x7f: {  	[tilespmem:s25+$0xB100] =	vst v1  }
0x80: {  	[tilespmem:s25+$0xB180] =	vst v1  }
0x81: {  	[tilespmem:s25+$0xB200] =	vst v1  }
0x82: {  	[tilespmem:s25+$0xB280] =	vst v1  }
0x83: {  	[tilespmem:s25+$0xB300] =	vst v1  }
0x84: {  	[tilespmem:s25+$0xB380] =	vst v1  }
0x85: {  	[tilespmem:s25+$0xC000] =	vst v1  }
0x86: {  	[tilespmem:s25+$0xC080] =	vst v1  }
0x87: {  	[tilespmem:s25+$0xC100] =	vst v1  }
0x88: {  	[tilespmem:s25+$0xC180] =	vst v1  }
0x89: {  	[tilespmem:s25+$0xC200] =	vst v1  }
0x8a: {  	[tilespmem:s25+$0xC280] =	vst v1  }
0x8b: {  	[tilespmem:s25+$0xC300] =	vst v1  }
0x8c: {  	[tilespmem:s25+$0xC380] =	vst v1  }
0x8d: {  	[tilespmem:s25+$0xD000] =	vst v1  }
0x8e: {  	[tilespmem:s25+$0xD080] =	vst v1  }
0x8f: {  	[tilespmem:s25+$0xD100] =	vst v1  }
0x90: {  	[tilespmem:s25+$0xD180] =	vst v1  }
0x91: {  	[tilespmem:s25+$0xD200] =	vst v1  }
0x92: {  	[tilespmem:s25+$0xD280] =	vst v1  }
0x93: {  	[tilespmem:s25+$0xD300] =	vst v1  }
0x94: {  	[tilespmem:s25+$0xD380] =	vst v1  }
0x95: {  	[tilespmem:s25+$0xE000] =	vst v1  }
0x96: {  	[tilespmem:s25+$0xE080] =	vst v1  }
0x97: {  	[tilespmem:s25+$0xE100] =	vst v1  }
0x98: {  	[tilespmem:s25+$0xE180] =	vst v1  }
0x99: {  	[tilespmem:s25+$0xE200] =	vst v1  }
0x9a: {  	[tilespmem:s25+$0xE280] =	vst v1  }
0x9b: {  	[tilespmem:s25+$0xE300] =	vst v1  }
0x9c: {  	[tilespmem:s25+$0xE380] =	vst v1  }
0x9d: {  	s28 =	sadd.s32 $0x80, s28;
	[tilespmem:s25+$0xF000] =	vst v1  }
0x9e: {  	s31 =	sand.u32 $0xC00, s28;
	s30 =	sand.u32 $0x70, s29;
	[tilespmem:s25+$0xF080] =	vst v1  }
0x9f: {  	s30 =	sor.u32 s30, s31;
	[tilespmem:s25+$0xF100] =	vst v1  }
.Ltmp0:
0xa0: {  	v2 =	vld [tilespmem:s30+$0x0];
	[tilespmem:s25+$0xF180] =	vst v1;
	(pc) =	sbr.rel @p0 .LBB2_2-.Ltmp0, $4  }
0xa1: {  	[tilespmem:s25+$0xF200] =	vst v1  }
0xa2: {  	[tilespmem:s25+$0xF280] =	vst v1  }
0xa3: {  	[tilespmem:s25+$0xF300] =	vst v1  }
0xa4: {  	s29 =	sadd.s32 $0x10, s29;
	[tilespmem:s25+$0xF380] =	vst v1;
	s25 =	smov.u32 s30  }
0xa5: {  	[tilespmem:s25+$0x80] =	vst v2  }
0xa6: {  	[tilespmem:s25+$0x100] =	vst v2  }
0xa7: {  	[tilespmem:s25+$0x180] =	vst v2  }
0xa8: {  	[tilespmem:s25+$0x200] =	vst v2  }
0xa9: {  	[tilespmem:s25+$0x280] =	vst v2;
	s26 =	sor.u32 s28, s26  }
0xaa: {  	[tilespmem:s25+$0x300] =	vst v2;
	s26 =	sor.u32 $0x380, s26  }
0xab: {  	[tilespmem:s26+$0x0] =	vst v2  }
0xac: {  	[tilespmem:s25+$0x1000] =	vst v2  }
0xad: {  	[tilespmem:s25+$0x1080] =	vst v2  }
0xae: {  	[tilespmem:s25+$0x1100] =	vst v2  }
0xaf: {  	[tilespmem:s25+$0x1180] =	vst v2  }
0xb0: {  	[tilespmem:s25+$0x1200] =	vst v2  }
0xb1: {  	[tilespmem:s25+$0x1280] =	vst v2  }
0xb2: {  	[tilespmem:s25+$0x1300] =	vst v2  }
0xb3: {  	[tilespmem:s25+$0x1380] =	vst v2  }
0xb4: {  	[tilespmem:s25+$0x2000] =	vst v2  }
0xb5: {  	[tilespmem:s25+$0x2080] =	vst v2  }
0xb6: {  	[tilespmem:s25+$0x2100] =	vst v2  }
0xb7: {  	[tilespmem:s25+$0x2180] =	vst v2  }
0xb8: {  	[tilespmem:s25+$0x2200] =	vst v2  }
0xb9: {  	[tilespmem:s25+$0x2280] =	vst v2  }
0xba: {  	[tilespmem:s25+$0x2300] =	vst v2  }
0xbb: {  	[tilespmem:s25+$0x2380] =	vst v2  }
0xbc: {  	[tilespmem:s25+$0x3000] =	vst v2  }
0xbd: {  	[tilespmem:s25+$0x3080] =	vst v2  }
0xbe: {  	[tilespmem:s25+$0x3100] =	vst v2  }
0xbf: {  	[tilespmem:s25+$0x3180] =	vst v2  }
0xc0: {  	[tilespmem:s25+$0x3200] =	vst v2  }
0xc1: {  	[tilespmem:s25+$0x3280] =	vst v2  }
0xc2: {  	[tilespmem:s25+$0x3300] =	vst v2  }
0xc3: {  	[tilespmem:s25+$0x3380] =	vst v2  }
0xc4: {  	[tilespmem:s25+$0x4000] =	vst v2  }
0xc5: {  	[tilespmem:s25+$0x4080] =	vst v2  }
0xc6: {  	[tilespmem:s25+$0x4100] =	vst v2  }
0xc7: {  	[tilespmem:s25+$0x4180] =	vst v2  }
0xc8: {  	[tilespmem:s25+$0x4200] =	vst v2  }
0xc9: {  	[tilespmem:s25+$0x4280] =	vst v2  }
0xca: {  	[tilespmem:s25+$0x4300] =	vst v2  }
0xcb: {  	[tilespmem:s25+$0x4380] =	vst v2  }
0xcc: {  	[tilespmem:s25+$0x5000] =	vst v2  }
0xcd: {  	[tilespmem:s25+$0x5080] =	vst v2  }
0xce: {  	[tilespmem:s25+$0x5100] =	vst v2  }
0xcf: {  	[tilespmem:s25+$0x5180] =	vst v2  }
0xd0: {  	[tilespmem:s25+$0x5200] =	vst v2  }
0xd1: {  	[tilespmem:s25+$0x5280] =	vst v2  }
0xd2: {  	[tilespmem:s25+$0x5300] =	vst v2  }
0xd3: {  	[tilespmem:s25+$0x5380] =	vst v2  }
0xd4: {  	[tilespmem:s25+$0x6000] =	vst v2  }
0xd5: {  	[tilespmem:s25+$0x6080] =	vst v2  }
0xd6: {  	[tilespmem:s25+$0x6100] =	vst v2  }
0xd7: {  	[tilespmem:s25+$0x6180] =	vst v2  }
0xd8: {  	[tilespmem:s25+$0x6200] =	vst v2  }
0xd9: {  	[tilespmem:s25+$0x6280] =	vst v2  }
0xda: {  	[tilespmem:s25+$0x6300] =	vst v2  }
0xdb: {  	[tilespmem:s25+$0x6380] =	vst v2  }
0xdc: {  	[tilespmem:s25+$0x7000] =	vst v2  }
0xdd: {  	[tilespmem:s25+$0x7080] =	vst v2  }
0xde: {  	[tilespmem:s25+$0x7100] =	vst v2  }
0xdf: {  	[tilespmem:s25+$0x7180] =	vst v2  }
0xe0: {  	[tilespmem:s25+$0x7200] =	vst v2  }
0xe1: {  	[tilespmem:s25+$0x7280] =	vst v2  }
0xe2: {  	[tilespmem:s25+$0x7300] =	vst v2  }
0xe3: {  	[tilespmem:s25+$0x7380] =	vst v2  }
0xe4: {  	[tilespmem:s25+$0x8000] =	vst v2  }
0xe5: {  	[tilespmem:s25+$0x8080] =	vst v2  }
0xe6: {  	[tilespmem:s25+$0x8100] =	vst v2  }
0xe7: {  	[tilespmem:s25+$0x8180] =	vst v2  }
0xe8: {  	[tilespmem:s25+$0x8200] =	vst v2  }
0xe9: {  	[tilespmem:s25+$0x8280] =	vst v2  }
0xea: {  	[tilespmem:s25+$0x8300] =	vst v2  }
0xeb: {  	[tilespmem:s25+$0x8380] =	vst v2  }
0xec: {  	[tilespmem:s25+$0x9000] =	vst v2  }
0xed: {  	[tilespmem:s25+$0x9080] =	vst v2  }
0xee: {  	[tilespmem:s25+$0x9100] =	vst v2  }
0xef: {  	[tilespmem:s25+$0x9180] =	vst v2  }
0xf0: {  	[tilespmem:s25+$0x9200] =	vst v2  }
0xf1: {  	[tilespmem:s25+$0x9280] =	vst v2  }
0xf2: {  	[tilespmem:s25+$0x9300] =	vst v2  }
0xf3: {  	[tilespmem:s25+$0x9380] =	vst v2  }
0xf4: {  	[tilespmem:s25+$0xA000] =	vst v2  }
0xf5: {  	[tilespmem:s25+$0xA080] =	vst v2  }
0xf6: {  	[tilespmem:s25+$0xA100] =	vst v2  }
0xf7: {  	[tilespmem:s25+$0xA180] =	vst v2  }
0xf8: {  	[tilespmem:s25+$0xA200] =	vst v2  }
0xf9: {  	[tilespmem:s25+$0xA280] =	vst v2  }
0xfa: {  	[tilespmem:s25+$0xA300] =	vst v2  }
0xfb: {  	[tilespmem:s25+$0xA380] =	vst v2  }
0xfc: {  	[tilespmem:s25+$0xB000] =	vst v2  }
0xfd: {  	[tilespmem:s25+$0xB080] =	vst v2  }
0xfe: {  	[tilespmem:s25+$0xB100] =	vst v2  }
0xff: {  	[tilespmem:s25+$0xB180] =	vst v2  }
0x100: {  	[tilespmem:s25+$0xB200] =	vst v2  }
0x101: {  	[tilespmem:s25+$0xB280] =	vst v2  }
0x102: {  	[tilespmem:s25+$0xB300] =	vst v2  }
0x103: {  	[tilespmem:s25+$0xB380] =	vst v2  }
0x104: {  	[tilespmem:s25+$0xC000] =	vst v2  }
0x105: {  	[tilespmem:s25+$0xC080] =	vst v2  }
0x106: {  	[tilespmem:s25+$0xC100] =	vst v2  }
0x107: {  	[tilespmem:s25+$0xC180] =	vst v2  }
0x108: {  	[tilespmem:s25+$0xC200] =	vst v2  }
0x109: {  	[tilespmem:s25+$0xC280] =	vst v2  }
0x10a: {  	[tilespmem:s25+$0xC300] =	vst v2  }
0x10b: {  	[tilespmem:s25+$0xC380] =	vst v2  }
0x10c: {  	[tilespmem:s25+$0xD000] =	vst v2  }
0x10d: {  	[tilespmem:s25+$0xD080] =	vst v2  }
0x10e: {  	[tilespmem:s25+$0xD100] =	vst v2  }
0x10f: {  	[tilespmem:s25+$0xD180] =	vst v2  }
0x110: {  	[tilespmem:s25+$0xD200] =	vst v2  }
0x111: {  	[tilespmem:s25+$0xD280] =	vst v2  }
0x112: {  	[tilespmem:s25+$0xD300] =	vst v2  }
0x113: {  	[tilespmem:s25+$0xD380] =	vst v2  }
0x114: {  	[tilespmem:s25+$0xE000] =	vst v2  }
0x115: {  	[tilespmem:s25+$0xE080] =	vst v2  }
0x116: {  	[tilespmem:s25+$0xE100] =	vst v2  }
0x117: {  	[tilespmem:s25+$0xE180] =	vst v2  }
0x118: {  	[tilespmem:s25+$0xE200] =	vst v2  }
0x119: {  	[tilespmem:s25+$0xE280] =	vst v2  }
0x11a: {  	[tilespmem:s25+$0xE300] =	vst v2  }
0x11b: {  	[tilespmem:s25+$0xE380] =	vst v2  }
0x11c: {  	[tilespmem:s25+$0xF000] =	vst v2  }
0x11d: {  	[tilespmem:s25+$0xF080] =	vst v2  }
0x11e: {  	[tilespmem:s25+$0xF100] =	vst v2  }
0x11f: {  	[tilespmem:s25+$0xF180] =	vst v2  }
0x120: {  	[tilespmem:s25+$0xF200] =	vst v2  }
0x121: {  	[tilespmem:s25+$0xF280] =	vst v2  }
0x122: {  	[tilespmem:s25+$0xF300] =	vst v2  }
0x123: {  	[tilespmem:s25+$0xF380] =	vst v2  }
0x124: {  	[tilespmem:$0x10000] =	vst v0  }
0x125: {  	[tilespmem:$0x10010] =	vst v0  }
0x126: {  	[tilespmem:$0x10020] =	vst v0  }
0x127: {  	[tilespmem:$0x10030] =	vst v0  }
0x128: {  	[tilespmem:$0x10040] =	vst v0  }
0x129: {  	[tilespmem:$0x10050] =	vst v0  }
0x12a: {  	[tilespmem:$0x10060] =	vst v0  }
0x12b: {  	[tilespmem:$0x10070] =	vst v0  }
0x12c: {  	[tilespmem:$0x10080] =	vst v0  }
0x12d: {  	[tilespmem:$0x10090] =	vst v0  }
0x12e: {  	[tilespmem:$0x100A0] =	vst v0  }
0x12f: {  	[tilespmem:$0x100B0] =	vst v0  }
0x130: {  	[tilespmem:$0x100C0] =	vst v0  }
0x131: {  	[tilespmem:$0x100D0] =	vst v0  }
0x132: {  	[tilespmem:$0x100E0] =	vst v0  }
0x133: {  	[tilespmem:$0x100F0] =	vst v0  }
0x134: {  	[tilespmem:$0x10100] =	vst v0  }
0x135: {  	[tilespmem:$0x10110] =	vst v0  }
0x136: {  	[tilespmem:$0x10120] =	vst v0  }
0x137: {  	[tilespmem:$0x10130] =	vst v0  }
0x138: {  	[tilespmem:$0x10140] =	vst v0  }
0x139: {  	[tilespmem:$0x10150] =	vst v0  }
0x13a: {  	[tilespmem:$0x10160] =	vst v0  }
0x13b: {  	[tilespmem:$0x10170] =	vst v0  }
0x13c: {  	[tilespmem:$0x10180] =	vst v0  }
0x13d: {  	[tilespmem:$0x10190] =	vst v0  }
0x13e: {  	[tilespmem:$0x101A0] =	vst v0  }
0x13f: {  	[tilespmem:$0x101B0] =	vst v0  }
0x140: {  	[tilespmem:$0x101C0] =	vst v0  }
0x141: {  	[tilespmem:$0x101D0] =	vst v0  }
0x142: {  	[tilespmem:$0x101E0] =	vst v0  }
0x143: {  	[tilespmem:$0x101F0] =	vst v0  }
0x144: {  	[hbm4b:s4+s2] =	stream.linear.scatter [tilespmem:s2], [sflag:$0x1], $0x10000, $0x38;
	[tilespmem:$0x10200] =	vst v63  }
0x145: {  	_ = 	snop  }
0x146: {  	[hbm4b:s5+s2] =	stream.linear.scatter [tilespmem:s2], [sflag:$0x1], $0x10000, $0x38;
	[tilespmem:$0x10200] =	vst v63  }
0x147: {  	_ = 	snop  }
0x148: {  	[hbm4b:s6+s2] =	stream.linear.scatter [tilespmem:s2], [sflag:$0x1], $0x10000, $0x38;
	[tilespmem:$0x10200] =	vst v63  }
0x149: {  	_ = 	snop  }
0x14a: {  	[hbm4b:s7+s2] =	stream.linear.scatter [tilespmem:s2], [sflag:$0x1], $0x10000, $0x38;
	[tilespmem:$0x10200] =	vst v63  }
0x14b: {  	_ = 	snop  }
0x14c: {  	[hbm4b:s8+s22] =	stream.strided.scatter [tilespmem:s23], [sflag:$0x1], $0x200, s18, s22, $0x38;
	[tilespmem:$0x10200] =	vst v63  }
0x14d: {  	_ = 	snop  }
0x14e: {  	[hbm4b:s9+s2] =	stream.linear.scatter [tilespmem:s2], [sflag:$0x1], $0x10000, $0x38;
	[tilespmem:$0x10200] =	vst v63  }
0x14f: {  	_ = 	snop  }
0x150: {  	[hbm4b:s10+s2] =	stream.linear.scatter [tilespmem:s2], [sflag:$0x1], $0x10000, $0x38;
	[tilespmem:$0x10200] =	vst v63  }
0x151: {  	_ = 	snop  }
0x152: {  	[hbm4b:s11+s2] =	stream.linear.scatter [tilespmem:s2], [sflag:$0x1], $0x10000, $0x38;
	[tilespmem:$0x10200] =	vst v63  }
0x153: {  	_ = 	snop  }
0x154: {  	[hbm4b:s12+s2] =	stream.linear.scatter [tilespmem:s2], [sflag:$0x1], $0x10000, $0x38;
	[tilespmem:$0x10200] =	vst v63  }
0x155: {  	_ = 	snop  }
0x156: {  	[hbm4b:s13+s22] =	stream.strided.scatter [tilespmem:s23], [sflag:$0x1], $0x200, s18, s22, $0x38;
	[tilespmem:$0x10200] =	vst v63  }
0x157: {  	_ =	swait.ge [sflag:s21], $0x10000  }
0x158: {  	[sflag:s21] =	ssyncset.done $0x0  }
0x159: {  	[sflag:s21] =	ssyncadd.s32 $0xFFFF0000  }
0x15a: {  	_ =	swait.ge [sflag:s21], $0x10000  }
0x15b: {  	[sflag:s21] =	ssyncset.done $0x0  }
0x15c: {  	[sflag:s21] =	ssyncadd.s32 $0xFFFF0000  }
0x15d: {  	_ =	swait.ge [sflag:s21], $0x10000  }
0x15e: {  	[sflag:s21] =	ssyncset.done $0x0  }
0x15f: {  	[sflag:s21] =	ssyncadd.s32 $0xFFFF0000  }
0x160: {  	_ =	swait.ge [sflag:s21], $0x10000  }
0x161: {  	[sflag:s21] =	ssyncset.done $0x0  }
0x162: {  	[sflag:s21] =	ssyncadd.s32 $0xFFFF0000  }
0x163: {  	_ =	swait.ge [sflag:s21], $0x200  }
0x164: {  	[sflag:s21] =	ssyncset.done $0x0  }
0x165: {  	[sflag:s21] =	ssyncadd.s32 $0xFFFFFE00  }
0x166: {  	_ =	swait.ge [sflag:s21], $0x10000  }
0x167: {  	[sflag:s21] =	ssyncset.done $0x0  }
0x168: {  	[sflag:s21] =	ssyncadd.s32 $0xFFFF0000  }
0x169: {  	_ =	swait.ge [sflag:s21], $0x10000  }
0x16a: {  	[sflag:s21] =	ssyncset.done $0x0  }
0x16b: {  	[sflag:s21] =	ssyncadd.s32 $0xFFFF0000  }
0x16c: {  	_ =	swait.ge [sflag:s21], $0x10000  }
0x16d: {  	[sflag:s21] =	ssyncset.done $0x0  }
0x16e: {  	s24 =	sadd.s32 $0x1, s24;
	[sflag:s21] =	ssyncadd.s32 $0xFFFF0000  }
0x16f: {  	p0 =	sne.s32 s24, s14;
	_ =	swait.ge [sflag:s21], $0x10000  }
.Ltmp1:
0x170: {  	[sflag:s21] =	ssyncset.done $0x0;
	(pc) =	sbr.rel @p0 .LBB2_1-.Ltmp1, $4  }
0x171: {  	[sflag:s21] =	ssyncadd.s32 $0xFFFF0000  }
0x172: {  	_ =	swait.ge [sflag:s21], $0x200  }
0x173: {  	[sflag:s21] =	ssyncset.done $0x0  }
0x174: {  	[sflag:s21] =	ssyncadd.s32 $0xFFFFFE00  }
0x175: {  	_ =	sfence.sel $0x180000  }
0x176: {  	[bflag:$0x0] =	sbarrier.arrive $0xFFFF  }
0x177: {  	p0 =	sne.s32 s1, $0x0;
	_ =	strace $0x90000047  }
0x178: {  	s0 =	sadd.s32 @!p0 $0x100000, s0;
	[bflag:$0x2] =	sbarrier.arrive $0xFFFF  }
0x179: {  	[sflag:s0] =	ssyncadd.tile.s32 @!p0 $0x1;
	_ =	shalt  }
.Lfunc_end2:
_tile_overlayer_lowered:
.L_overlay_start_2:
0x17a: {  	(tag) =	ssettag $0x2  }
0x17b: {  	s0 =	rddreg [dreg:$0x0];
	s2 =	stileid.u32  }
0x17c: {  	s1 =	rddreg [dreg:$0x1];
	p0 =	sne.s32 s2, $0x0  }
0x17d: {  	s3 =	rddreg [dreg:$0x2];
	[bflag:$0x3] =	sbarrier.arrive $0xFFFF;
	s2 =	simm.s32 @!p0 $0x1C02  }
0x17e: {  	[timem:s3], [sflag:s2] =	dma.local @!p0 [hbm:s0], s1  }
0x17f: {  	s0 =	simm.s32 @!p0 $0x2  }
0x180: {  	_ =	swait.ge @!p0 [sflag:s0], s1  }
0x181: {  	s1 =	ssub.s32 @!p0 $0x0, s1;
	[sflag:s0] =	ssyncset.done @!p0 $0x0  }
0x182: {  	[sflag:s0] =	ssyncadd.s32 @!p0 s1  }
0x183: {  	[bflag:$0x3] =	sbarrier.arrive $0xFFFF  }
0x184: {  	_ =	shalt  }

</sc_bundles>
